<compile_context>
chip_gen: v7x
topology: tpu7x:2x2x1
jax: 0.10.2.dev20260603
libtpu: 0.0.44.dev20260713+nightly
codegen_flags: <defaults>
</compile_context>

<pallas_src>
import functools

import jax
import jax.numpy as jnp
from jax import lax
from jax.experimental import pallas as pl
from jax.experimental.pallas import tpu as pltpu
from jax.experimental.pallas import tpu_sc as plsc

N = 1024
B = 16
F = 128
E = 64
K = 32
RT = 128
NW = 32
NPW = (B * N) // NW


def _feat_body(x_ref, w_ref, b_ref, al_ref, ar_ref, emb_ref,
               h_ref, sl_ref, sr_ref):
    xb = x_ref[0]
    h = jnp.dot(xb, w_ref[...], preferred_element_type=jnp.float32)
    h = h + b_ref[0]
    h_ref[0] = h
    emb = emb_ref[...]
    al = al_ref[0]
    ar = ar_ref[0]
    sl = (jnp.sum(h * al[None, :E], axis=1)
          + jnp.sum(emb * al[None, E:], axis=1))
    sr = (jnp.sum(h * ar[None, :E], axis=1)
          + jnp.sum(emb * ar[None, E:], axis=1))
    sl_ref[0] = sl.reshape(8, N // 8)
    sr_ref[0] = sr.reshape(8, N // 8)


_feat_call = pl.pallas_call(
    _feat_body,
    grid=(B,),
    in_specs=[
        pl.BlockSpec((1, N, F), lambda i: (i, 0, 0)),
        pl.BlockSpec((F, E), lambda i: (0, 0)),
        pl.BlockSpec((1, E), lambda i: (0, 0)),
        pl.BlockSpec((1, 2 * E), lambda i: (0, 0)),
        pl.BlockSpec((1, 2 * E), lambda i: (0, 0)),
        pl.BlockSpec((N, E), lambda i: (0, 0)),
    ],
    out_specs=[
        pl.BlockSpec((1, N, E), lambda i: (i, 0, 0)),
        pl.BlockSpec((1, 8, N // 8), lambda i: (i, 0, 0)),
        pl.BlockSpec((1, 8, N // 8), lambda i: (i, 0, 0)),
    ],
    out_shape=[
        jax.ShapeDtypeStruct((B, N, E), jnp.float32),
        jax.ShapeDtypeStruct((B, 8, N // 8), jnp.float32),
        jax.ShapeDtypeStruct((B, 8, N // 8), jnp.float32),
    ],
)


def _topk_body(emb_ref, idx_ref):
    e = emb_ref[...]
    nf = jnp.sqrt(jnp.sum(e * e, axis=1))
    dot = lax.dot_general(e, e, (((1,), (1,)), ((), ())),
                          preferred_element_type=jnp.float32)
    s0 = dot / nf[:, None]
    rowio = lax.broadcasted_iota(jnp.int32, (N, N), 0)
    kio = lax.broadcasted_iota(jnp.int32, (K, N), 0)

    def body(k, carry):
        s, idxs = carry
        m = jnp.max(s, axis=0, keepdims=True)
        am = jnp.min(jnp.where(s >= m, rowio, N), axis=0, keepdims=True)
        idxs = jnp.where(kio == k, am, idxs)
        s = jnp.where(rowio == am, -jnp.inf, s)
        return s, idxs

    _, idxs = lax.fori_loop(0, K, body,
                            (s0, jnp.zeros((K, N), jnp.int32)))
    idx_ref[...] = idxs


_topk_call = pl.pallas_call(
    _topk_body,
    out_shape=jax.ShapeDtypeStruct((K, N), jnp.int32),
)


def _sc_edge_body(h_hbm, sl_hbm, sr_hbm, idx_hbm, wout_hbm, y_hbm,
                  h_v, sr_v, sl_v, idx_v, wout_v, y_v):
    cid = lax.axis_index("c")
    sid = lax.axis_index("s")
    w = sid * 2 + cid
    b = w // 2
    half = w % 2
    nbase = half * NPW

    pltpu.sync_copy(h_hbm.at[pl.ds(b * N * E, N * E)], h_v)
    pltpu.sync_copy(sr_hbm.at[pl.ds(b * N, N)], sr_v)
    pltpu.sync_copy(sl_hbm.at[pl.ds(b * N + nbase, NPW)], sl_v)
    pltpu.sync_copy(idx_hbm.at[pl.ds(nbase * K, NPW * K)], idx_v)
    pltpu.sync_copy(wout_hbm, wout_v)

    lanei = lax.iota(jnp.int32, 16)
    lane0 = lanei == 0
    w0 = wout_v[0:16]
    w1 = wout_v[16:32]
    w2 = wout_v[32:48]
    w3 = wout_v[48:64]

    def one_node(n):
        iv0 = idx_v[pl.ds(n * K, 16)]
        iv1 = idx_v[pl.ds(n * K + 16, 16)]
        nvec = jnp.full((16,), n, jnp.int32)
        s0 = plsc.load_gather(sr_v, [iv0])
        s1 = plsc.load_gather(sr_v, [iv1])
        slv = plsc.load_gather(sl_v, [nvec])
        l0 = slv + s0
        l1 = slv + s1
        l0 = jnp.where(l0 >= 0, l0, 0.2 * l0)
        l1 = jnp.where(l1 >= 0, l1, 0.2 * l1)
        e0 = jnp.exp(l0)
        e1 = jnp.exp(l1)
        denom = jnp.full((16,), jnp.sum(e0) + jnp.sum(e1), jnp.float32)
        a0 = e0 / denom
        a1 = e1 / denom
        ad0 = iv0 * E
        ad1 = iv1 * E
        acc0 = jnp.zeros((16,), jnp.float32)
        acc1 = jnp.zeros((16,), jnp.float32)
        acc2 = jnp.zeros((16,), jnp.float32)
        acc3 = jnp.zeros((16,), jnp.float32)
        for av, adv in ((a0, ad0), (a1, ad1)):
            for k in range(16):
                ak = av[k]
                base = adv[k]
                acc0 = acc0 + ak * h_v[pl.ds(base, 16)]
                acc1 = acc1 + ak * h_v[pl.ds(base + 16, 16)]
                acc2 = acc2 + ak * h_v[pl.ds(base + 32, 16)]
                acc3 = acc3 + ak * h_v[pl.ds(base + 48, 16)]
        r = (jnp.maximum(acc0, 0.0) * w0
             + jnp.maximum(acc1, 0.0) * w1
             + jnp.maximum(acc2, 0.0) * w2
             + jnp.maximum(acc3, 0.0) * w3)
        y = jnp.sum(r)
        plsc.store_scatter(y_v, [nvec], jnp.full((16,), y, jnp.float32),
                           mask=lane0)

    @plsc.parallel_loop(0, NPW, unroll=2)
    def _(n):
        one_node(n)
    pltpu.sync_copy(y_v, y_hbm.at[pl.ds(b * N + nbase, NPW)])


@functools.cache
def _get_sc_edge():
    mesh = plsc.VectorSubcoreMesh(core_axis_name="c", subcore_axis_name="s")
    return pl.kernel(
        _sc_edge_body,
        out_type=jax.ShapeDtypeStruct((B * N,), jnp.float32),
        mesh=mesh,
        compiler_params=pltpu.CompilerParams(needs_layout_passes=False),
        scratch_types=[
            pltpu.VMEM((N * E,), jnp.float32),
            pltpu.VMEM((N,), jnp.float32),
            pltpu.VMEM((NPW,), jnp.float32),
            pltpu.VMEM((NPW * K,), jnp.int32),
            pltpu.VMEM((E,), jnp.float32),
            pltpu.VMEM((NPW,), jnp.float32),
        ],
    )


def kernel(x, emb_table, W, b_fe, a_l, a_r, W_out, b_out):
    h, sl, sr = _feat_call(x, W, b_fe.reshape(1, E),
                           a_l.reshape(1, 2 * E), a_r.reshape(1, 2 * E),
                           emb_table)
    idx_t = _topk_call(emb_table)
    idx = idx_t.T
    y = _get_sc_edge()(h.reshape(-1), sl.reshape(-1), sr.reshape(-1),
                       idx.reshape(-1), W_out.reshape(-1))
    return y.reshape(B, N) + b_out[0]

# --- scband reference (transcript-rebuilt; emitter-appended) ---
"""Pipeline reference for scband-gdnmodel-57621281243709 (READ-ONLY COPY).

The authoritative reference and input builder live on the scoring server;
editing this copy changes nothing except your own understanding.
"""

import jax, jax.numpy as jnp
import numpy as np

NODE_NUM = 1024
BATCH = 16
INPUT_DIM = 128
EMB = 64
TOPK = 32


def setup_inputs(seed: int = 0) -> dict:
    key = jax.random.key(seed)
    ks = jax.random.split(key, 8)
    x = jax.random.normal(ks[0], (BATCH, NODE_NUM, INPUT_DIM), dtype=jnp.float32)
    emb_table = jax.random.normal(ks[1], (NODE_NUM, EMB), dtype=jnp.float32) * 0.05
    W = jax.random.normal(ks[2], (INPUT_DIM, EMB), dtype=jnp.float32) * (1.0 / np.sqrt(INPUT_DIM))
    b_fe = jnp.zeros((EMB,), dtype=jnp.float32)
    a_l = jax.random.normal(ks[3], (2 * EMB,), dtype=jnp.float32) * 0.1
    a_r = jax.random.normal(ks[4], (2 * EMB,), dtype=jnp.float32) * 0.1
    W_out = jax.random.normal(ks[5], (EMB, 1), dtype=jnp.float32) * (1.0 / np.sqrt(EMB))
    b_out = jnp.zeros((1,), dtype=jnp.float32)
    return {"x": x, "emb_table": emb_table, "W": W, "b_fe": b_fe,
            "a_l": a_l, "a_r": a_r, "W_out": W_out, "b_out": b_out}


def reference(x, emb_table, W, b_fe, a_l, a_r, W_out, b_out):
    B, N, F = x.shape
    K = TOPK
    # learned-graph construction: cosine similarity of node embeddings + topk
    node_emb = emb_table  # embedding(arange(N))
    dot = node_emb @ node_emb.T
    nrm = jnp.linalg.norm(node_emb, axis=-1, keepdims=True)
    sim = dot / (nrm @ nrm.T)
    _, topk_idx = jax.lax.top_k(sim, K)  # [N, K]
    src = jnp.repeat(jnp.arange(N), K)    # [N*K]
    dst = topk_idx.reshape(-1)            # [N*K]
    # batch the edge index with per-sample node offsets
    off = jnp.repeat(jnp.arange(B) * N, N * K)
    bsrc = jnp.tile(src, B) + off         # [B*N*K]
    bdst = jnp.tile(dst, B) + off
    xf = x.reshape(-1, F)                 # [B*N, F]
    emb_rep = jnp.tile(node_emb, (B, 1))  # [B*N, EMB]
    # GraphAttentionFE: GAT-style attention over (Wx, embedding) keys
    h = xf @ W + b_fe                     # [B*N, EMB]
    g = jnp.concatenate([h, emb_rep], axis=-1)  # [B*N, 2*EMB]
    s_l = g @ a_l                         # [B*N]
    s_r = g @ a_r
    logit = jax.nn.leaky_relu(s_l[bsrc] + s_r[bdst], 0.2)
    seg_max = jax.ops.segment_max(logit, bsrc, num_segments=B * N)
    e = jnp.exp(logit - seg_max[bsrc])
    denom = jax.ops.segment_sum(e, bsrc, num_segments=B * N)
    alpha = e / denom[bsrc]
    msg = alpha[:, None] * h[bdst]        # gather + weight
    out = jax.ops.segment_sum(msg, bsrc, num_segments=B * N)  # scatter-add
    out = jax.nn.relu(out)
    y = out @ W_out + b_out               # [B*N, 1]
    return y.reshape(B, N)

if __name__ == "__main__":
    import jax
    _d = setup_inputs()
    print(jax.jit(kernel)(*tuple(_d.values())))

</pallas_src>

<mosaic_0001>
#map = affine_map<(d0, d1) -> (0)>
module attributes {stable_mosaic.version = 14 : i64} {
  func.func @_sc_edge_body(%arg0: i32, %arg1: i32, %arg2: memref<1048576xf32, #tpu.memory_space<hbm>>, %arg3: memref<16384xf32, #tpu.memory_space<hbm>>, %arg4: memref<16384xf32, #tpu.memory_space<hbm>>, %arg5: memref<32768xi32, #tpu.memory_space<hbm>>, %arg6: memref<64xf32, #tpu.memory_space<hbm>>, %arg7: memref<16384xf32, #tpu.memory_space<hbm>>, %arg8: memref<65536xf32, #tpu.memory_space<vmem>>, %arg9: memref<1024xf32, #tpu.memory_space<vmem>>, %arg10: memref<512xf32, #tpu.memory_space<vmem>>, %arg11: memref<16384xi32, #tpu.memory_space<vmem>>, %arg12: memref<64xf32, #tpu.memory_space<vmem>>, %arg13: memref<512xf32, #tpu.memory_space<vmem>>) attributes {dimension_semantics = [#tpu.dimension_semantics<core_parallel>, #tpu.dimension_semantics<subcore_parallel>], iteration_bounds = array<i64: 2, 16>, scalar_prefetch = 0 : i64, scratch_operands = 6 : i64, tpu.core_type = #tpu.core_type<sc_vector_subcore>, window_params = [{transform_indices = #map}, {transform_indices = #map}, {transform_indices = #map}, {transform_indices = #map}, {transform_indices = #map}, {transform_indices = #map}]} {
    %mul3A = arith.constant 2 : i32
    %mul3A_0 = arith.muli %arg1, %mul3A : i32
    %add3A = arith.addi %mul3A_0, %arg0 : i32
    %jit3A = arith.constant 2 : i32
    %div3A = arith.divsi %add3A, %jit3A : i32
    %sign3A = arith.constant 0 : i32
    %sign3A_1 = arith.cmpi sgt, %add3A, %sign3A : i32
    %sign3A_2 = arith.extui %sign3A_1 : i1 to i32
    %sign3A_3 = arith.constant 0 : i32
    %sign3A_4 = arith.cmpi slt, %add3A, %sign3A_3 : i32
    %sign3A_5 = arith.extui %sign3A_4 : i1 to i32
    %sign3A_6 = arith.subi %sign3A_2, %sign3A_5 : i32
    %sign3A_7 = arith.constant 0 : i32
    %sign3A_8 = arith.cmpi sgt, %jit3A, %sign3A_7 : i32
    %sign3A_9 = arith.extui %sign3A_8 : i1 to i32
    %sign3A_10 = arith.constant 0 : i32
    %sign3A_11 = arith.cmpi slt, %jit3A, %sign3A_10 : i32
    %sign3A_12 = arith.extui %sign3A_11 : i1 to i32
    %sign3A_13 = arith.subi %sign3A_9, %sign3A_12 : i32
    %ne3A = arith.cmpi ne, %sign3A_6, %sign3A_13 : i32
    %rem3A = arith.remsi %add3A, %jit3A : i32
    %ne3A_14 = arith.constant 0 : i32
    %ne3A_15 = arith.cmpi ne, %rem3A, %ne3A_14 : i32
    %and3A = arith.andi %ne3A, %ne3A_15 : i1
    %sub3A = arith.constant 1 : i32
    %sub3A_16 = arith.subi %div3A, %sub3A : i32
    %select_n3A = arith.select %and3A, %sub3A_16, %div3A : i32
    %jit3A_17 = arith.constant 2 : i32
    %eq3A = arith.constant 0 : i32
    %eq3A_18 = arith.cmpi eq, %jit3A_17, %eq3A : i32
    %jit3A_19 = arith.constant 1 : i32
    %select_n3A_20 = arith.select %eq3A_18, %jit3A_19, %jit3A_17 : i32
    %rem3A_21 = arith.remsi %add3A, %select_n3A_20 : i32
    %ne3A_22 = arith.constant 0 : i32
    %ne3A_23 = arith.cmpi ne, %rem3A_21, %ne3A_22 : i32
    %lt3A = arith.constant 0 : i32
    %lt3A_24 = arith.cmpi slt, %rem3A_21, %lt3A : i32
    %lt3A_25 = arith.constant 0 : i32
    %lt3A_26 = arith.cmpi slt, %select_n3A_20, %lt3A_25 : i32
    %ne3A_27 = arith.xori %lt3A_24, %lt3A_26 : i1
    %and3A_28 = arith.andi %ne3A_27, %ne3A_23 : i1
    %add3A_29 = arith.addi %rem3A_21, %select_n3A_20 : i32
    %select_n3A_30 = arith.select %and3A_28, %add3A_29, %rem3A_21 : i32
    %mul3A_31 = arith.constant 512 : i32
    %mul3A_32 = arith.muli %select_n3A_30, %mul3A_31 : i32
    %mul3A_33 = arith.constant 1024 : i32
    %mul3A_34 = arith.muli %select_n3A, %mul3A_33 : i32
    %mul3A_35 = arith.constant 64 : i32
    %mul3A_36 = arith.muli %mul3A_34, %mul3A_35 : i32
    "tpu.region"() ({
      %run_scoped3A = tpu.sem_alloc : memref<!tpu.dma_semaphore, #tpu.memory_space<semaphore_mem>>
      %dma_start3A = tpu.memref_slice %arg2[%mul3A_36] : memref<1048576xf32, #tpu.memory_space<hbm>> -> memref<65536xf32, #tpu.memory_space<hbm>>
      %dma_start3A_59 = tpu.memref_slice %arg2[%mul3A_36] : memref<1048576xf32, #tpu.memory_space<hbm>> -> memref<65536xf32, #tpu.memory_space<hbm>>
      tpu.enqueue_dma source(%dma_start3A_59 : memref<65536xf32, #tpu.memory_space<hbm>>) target(%arg8 : memref<65536xf32, #tpu.memory_space<vmem>>) target_semaphore(%run_scoped3A : memref<!tpu.dma_semaphore, #tpu.memory_space<semaphore_mem>>)
      %dma_wait3A = tpu.memref_slice %arg2[%mul3A_36] : memref<1048576xf32, #tpu.memory_space<hbm>> -> memref<65536xf32, #tpu.memory_space<hbm>>
      %dma_wait3A_60 = tpu.memref_slice %arg2[%mul3A_36] : memref<1048576xf32, #tpu.memory_space<hbm>> -> memref<65536xf32, #tpu.memory_space<hbm>>
      tpu.wait_dma2 semaphore(%run_scoped3A : memref<!tpu.dma_semaphore, #tpu.memory_space<semaphore_mem>>) src(%dma_wait3A_60 : memref<65536xf32, #tpu.memory_space<hbm>>) dst(%arg8 : memref<65536xf32, #tpu.memory_space<vmem>>)
      tpu.yield
    }) : () -> ()
    %mul3A_37 = arith.constant 1024 : i32
    %mul3A_38 = arith.muli %select_n3A, %mul3A_37 : i32
    "tpu.region"() ({
      %run_scoped3A = tpu.sem_alloc : memref<!tpu.dma_semaphore, #tpu.memory_space<semaphore_mem>>
      %dma_start3A = tpu.memref_slice %arg4[%mul3A_38] : memref<16384xf32, #tpu.memory_space<hbm>> -> memref<1024xf32, #tpu.memory_space<hbm>>
      %dma_start3A_59 = tpu.memref_slice %arg4[%mul3A_38] : memref<16384xf32, #tpu.memory_space<hbm>> -> memref<1024xf32, #tpu.memory_space<hbm>>
      tpu.enqueue_dma source(%dma_start3A_59 : memref<1024xf32, #tpu.memory_space<hbm>>) target(%arg9 : memref<1024xf32, #tpu.memory_space<vmem>>) target_semaphore(%run_scoped3A : memref<!tpu.dma_semaphore, #tpu.memory_space<semaphore_mem>>)
      %dma_wait3A = tpu.memref_slice %arg4[%mul3A_38] : memref<16384xf32, #tpu.memory_space<hbm>> -> memref<1024xf32, #tpu.memory_space<hbm>>
      %dma_wait3A_60 = tpu.memref_slice %arg4[%mul3A_38] : memref<16384xf32, #tpu.memory_space<hbm>> -> memref<1024xf32, #tpu.memory_space<hbm>>
      tpu.wait_dma2 semaphore(%run_scoped3A : memref<!tpu.dma_semaphore, #tpu.memory_space<semaphore_mem>>) src(%dma_wait3A_60 : memref<1024xf32, #tpu.memory_space<hbm>>) dst(%arg9 : memref<1024xf32, #tpu.memory_space<vmem>>)
      tpu.yield
    }) : () -> ()
    %mul3A_39 = arith.constant 1024 : i32
    %mul3A_40 = arith.muli %select_n3A, %mul3A_39 : i32
    %add3A_41 = arith.addi %mul3A_40, %mul3A_32 : i32
    "tpu.region"() ({
      %run_scoped3A = tpu.sem_alloc : memref<!tpu.dma_semaphore, #tpu.memory_space<semaphore_mem>>
      %dma_start3A = tpu.memref_slice %arg3[%add3A_41] : memref<16384xf32, #tpu.memory_space<hbm>> -> memref<512xf32, #tpu.memory_space<hbm>>
      %dma_start3A_59 = tpu.memref_slice %arg3[%add3A_41] : memref<16384xf32, #tpu.memory_space<hbm>> -> memref<512xf32, #tpu.memory_space<hbm>>
      tpu.enqueue_dma source(%dma_start3A_59 : memref<512xf32, #tpu.memory_space<hbm>>) target(%arg10 : memref<512xf32, #tpu.memory_space<vmem>>) target_semaphore(%run_scoped3A : memref<!tpu.dma_semaphore, #tpu.memory_space<semaphore_mem>>)
      %dma_wait3A = tpu.memref_slice %arg3[%add3A_41] : memref<16384xf32, #tpu.memory_space<hbm>> -> memref<512xf32, #tpu.memory_space<hbm>>
      %dma_wait3A_60 = tpu.memref_slice %arg3[%add3A_41] : memref<16384xf32, #tpu.memory_space<hbm>> -> memref<512xf32, #tpu.memory_space<hbm>>
      tpu.wait_dma2 semaphore(%run_scoped3A : memref<!tpu.dma_semaphore, #tpu.memory_space<semaphore_mem>>) src(%dma_wait3A_60 : memref<512xf32, #tpu.memory_space<hbm>>) dst(%arg10 : memref<512xf32, #tpu.memory_space<vmem>>)
      tpu.yield
    }) : () -> ()
    %mul3A_42 = arith.constant 32 : i32
    %mul3A_43 = arith.muli %mul3A_32, %mul3A_42 : i32
    "tpu.region"() ({
      %run_scoped3A = tpu.sem_alloc : memref<!tpu.dma_semaphore, #tpu.memory_space<semaphore_mem>>
      %dma_start3A = tpu.memref_slice %arg5[%mul3A_43] : memref<32768xi32, #tpu.memory_space<hbm>> -> memref<16384xi32, #tpu.memory_space<hbm>>
      %dma_start3A_59 = tpu.memref_slice %arg5[%mul3A_43] : memref<32768xi32, #tpu.memory_space<hbm>> -> memref<16384xi32, #tpu.memory_space<hbm>>
      tpu.enqueue_dma source(%dma_start3A_59 : memref<16384xi32, #tpu.memory_space<hbm>>) target(%arg11 : memref<16384xi32, #tpu.memory_space<vmem>>) target_semaphore(%run_scoped3A : memref<!tpu.dma_semaphore, #tpu.memory_space<semaphore_mem>>)
      %dma_wait3A = tpu.memref_slice %arg5[%mul3A_43] : memref<32768xi32, #tpu.memory_space<hbm>> -> memref<16384xi32, #tpu.memory_space<hbm>>
      %dma_wait3A_60 = tpu.memref_slice %arg5[%mul3A_43] : memref<32768xi32, #tpu.memory_space<hbm>> -> memref<16384xi32, #tpu.memory_space<hbm>>
      tpu.wait_dma2 semaphore(%run_scoped3A : memref<!tpu.dma_semaphore, #tpu.memory_space<semaphore_mem>>) src(%dma_wait3A_60 : memref<16384xi32, #tpu.memory_space<hbm>>) dst(%arg11 : memref<16384xi32, #tpu.memory_space<vmem>>)
      tpu.yield
    }) : () -> ()
    "tpu.region"() ({
      %run_scoped3A = tpu.sem_alloc : memref<!tpu.dma_semaphore, #tpu.memory_space<semaphore_mem>>
      tpu.enqueue_dma source(%arg6 : memref<64xf32, #tpu.memory_space<hbm>>) target(%arg12 : memref<64xf32, #tpu.memory_space<vmem>>) target_semaphore(%run_scoped3A : memref<!tpu.dma_semaphore, #tpu.memory_space<semaphore_mem>>)
      tpu.wait_dma2 semaphore(%run_scoped3A : memref<!tpu.dma_semaphore, #tpu.memory_space<semaphore_mem>>) src(%arg6 : memref<64xf32, #tpu.memory_space<hbm>>) dst(%arg12 : memref<64xf32, #tpu.memory_space<vmem>>)
      tpu.yield
    }) : () -> ()
    %iota3A = tpu.iota {dimensions = array<i32: 0>} : vector<16xi32>
    %eq3A_44 = arith.constant 0 : i32
    %eq3A_45 = vector.broadcast %eq3A_44 : i32 to vector<16xi32>
    %eq3A_46 = arith.cmpi eq, %iota3A, %eq3A_45 : vector<16xi32>
    %get3A = arith.constant 0 : index
    %get3A_47 = tpu.vector_load %arg12[%get3A] {strides = array<i32>} : memref<64xf32, #tpu.memory_space<vmem>>, vector<16xf32>,
    %get3A_48 = arith.constant 16 : index
    %get3A_49 = tpu.vector_load %arg12[%get3A_48] {strides = array<i32>} : memref<64xf32, #tpu.memory_space<vmem>>, vector<16xf32>,
    %get3A_50 = arith.constant 32 : index
    %get3A_51 = tpu.vector_load %arg12[%get3A_50] {strides = array<i32>} : memref<64xf32, #tpu.memory_space<vmem>>, vector<16xf32>,
    %get3A_52 = arith.constant 48 : index
    %get3A_53 = tpu.vector_load %arg12[%get3A_52] {strides = array<i32>} : memref<64xf32, #tpu.memory_space<vmem>>, vector<16xf32>,
    %parallel_loop3A = arith.constant 0 : i32
    %parallel_loop3A_54 = arith.constant 512 : i32
    %parallel_loop3A_55 = arith.constant 1 : i32
    scf.for %parallel_loop3A_59 = %parallel_loop3A to %parallel_loop3A_54 step %parallel_loop3A_55  : i32 {
      %parallel_loop3A_60 = arith.constant 32 : i32
      %parallel_loop3A_61 = arith.muli %parallel_loop3A_59, %parallel_loop3A_60 : i32
      %parallel_loop3A_62 = arith.index_cast %parallel_loop3A_61 : i32 to index
      %parallel_loop3A_63 = tpu.vector_load %arg11[%parallel_loop3A_62] {strides = array<i32>} : memref<16384xi32, #tpu.memory_space<vmem>>, vector<16xi32>,
      %parallel_loop3A_64 = arith.constant 32 : i32
      %parallel_loop3A_65 = arith.muli %parallel_loop3A_59, %parallel_loop3A_64 : i32
      %parallel_loop3A_66 = arith.constant 16 : i32
      %parallel_loop3A_67 = arith.addi %parallel_loop3A_65, %parallel_loop3A_66 : i32
      %parallel_loop3A_68 = arith.index_cast %parallel_loop3A_67 : i32 to index
      %parallel_loop3A_69 = tpu.vector_load %arg11[%parallel_loop3A_68] {strides = array<i32>} : memref<16384xi32, #tpu.memory_space<vmem>>, vector<16xi32>,
      %parallel_loop3A_70 = vector.broadcast %parallel_loop3A_59 : i32 to vector<16xi32>
      %parallel_loop3A_71 = tpu.vector_load_idx %arg9[%parallel_loop3A_63] : memref<1024xf32, #tpu.memory_space<vmem>>[vector<16xi32>], vector<16xf32>,
      %parallel_loop3A_72 = tpu.vector_load_idx %arg9[%parallel_loop3A_69] : memref<1024xf32, #tpu.memory_space<vmem>>[vector<16xi32>], vector<16xf32>,
      %parallel_loop3A_73 = tpu.vector_load_idx %arg10[%parallel_loop3A_70] : memref<512xf32, #tpu.memory_space<vmem>>[vector<16xi32>], vector<16xf32>,
      %parallel_loop3A_74 = arith.addf %parallel_loop3A_73, %parallel_loop3A_71 : vector<16xf32>
      %parallel_loop3A_75 = arith.addf %parallel_loop3A_73, %parallel_loop3A_72 : vector<16xf32>
      %parallel_loop3A_76 = arith.constant 0.000000e+00 : f32
      %parallel_loop3A_77 = vector.broadcast %parallel_loop3A_76 : f32 to vector<16xf32>
      %parallel_loop3A_78 = arith.cmpf oge, %parallel_loop3A_74, %parallel_loop3A_77 : vector<16xf32>
      %parallel_loop3A_79 = arith.constant 2.000000e-01 : f32
      %parallel_loop3A_80 = vector.broadcast %parallel_loop3A_79 : f32 to vector<16xf32>
      %parallel_loop3A_81 = arith.mulf %parallel_loop3A_80, %parallel_loop3A_74 : vector<16xf32>
      %parallel_loop3A_82 = arith.select %parallel_loop3A_78, %parallel_loop3A_74, %parallel_loop3A_81 : vector<16xi1>, vector<16xf32>
      %parallel_loop3A_83 = arith.constant 0.000000e+00 : f32
      %parallel_loop3A_84 = vector.broadcast %parallel_loop3A_83 : f32 to vector<16xf32>
      %parallel_loop3A_85 = arith.cmpf oge, %parallel_loop3A_75, %parallel_loop3A_84 : vector<16xf32>
      %parallel_loop3A_86 = arith.constant 2.000000e-01 : f32
      %parallel_loop3A_87 = vector.broadcast %parallel_loop3A_86 : f32 to vector<16xf32>
      %parallel_loop3A_88 = arith.mulf %parallel_loop3A_87, %parallel_loop3A_75 : vector<16xf32>
      %parallel_loop3A_89 = arith.select %parallel_loop3A_85, %parallel_loop3A_75, %parallel_loop3A_88 : vector<16xi1>, vector<16xf32>
      %parallel_loop3A_90 = math.exp %parallel_loop3A_82 : vector<16xf32>
      %parallel_loop3A_91 = math.exp %parallel_loop3A_89 : vector<16xf32>
      %parallel_loop3A_92 = arith.constant true
      %parallel_loop3A_93 = vector.broadcast %parallel_loop3A_92 : i1 to vector<16xi1>
      %parallel_loop3A_94 = tpu.scan <sum>, %parallel_loop3A_90 masked %parallel_loop3A_93 : vector<16xf32>, vector<16xi1> -> vector<16xf32>
      %parallel_loop3A_95 = vector.extract %parallel_loop3A_94[15] : f32 from vector<16xf32>
      %parallel_loop3A_96 = arith.constant true
      %parallel_loop3A_97 = vector.broadcast %parallel_loop3A_96 : i1 to vector<16xi1>
      %parallel_loop3A_98 = tpu.scan <sum>, %parallel_loop3A_91 masked %parallel_loop3A_97 : vector<16xf32>, vector<16xi1> -> vector<16xf32>
      %parallel_loop3A_99 = vector.extract %parallel_loop3A_98[15] : f32 from vector<16xf32>
      %parallel_loop3A_100 = arith.addf %parallel_loop3A_95, %parallel_loop3A_99 : f32
      %parallel_loop3A_101 = vector.broadcast %parallel_loop3A_100 : f32 to vector<16xf32>
      %parallel_loop3A_102 = arith.divf %parallel_loop3A_90, %parallel_loop3A_101 : vector<16xf32>
      %parallel_loop3A_103 = arith.divf %parallel_loop3A_91, %parallel_loop3A_101 : vector<16xf32>
      %parallel_loop3A_104 = arith.constant 64 : i32
      %parallel_loop3A_105 = vector.broadcast %parallel_loop3A_104 : i32 to vector<16xi32>
      %parallel_loop3A_106 = arith.muli %parallel_loop3A_63, %parallel_loop3A_105 : vector<16xi32>
      %parallel_loop3A_107 = arith.constant 64 : i32
      %parallel_loop3A_108 = vector.broadcast %parallel_loop3A_107 : i32 to vector<16xi32>
      %parallel_loop3A_109 = arith.muli %parallel_loop3A_69, %parallel_loop3A_108 : vector<16xi32>
      %parallel_loop3A_110 = arith.constant 0.000000e+00 : f32
      %parallel_loop3A_111 = vector.broadcast %parallel_loop3A_110 : f32 to vector<16xf32>
      %parallel_loop3A_112 = arith.constant 0.000000e+00 : f32
      %parallel_loop3A_113 = vector.broadcast %parallel_loop3A_112 : f32 to vector<16xf32>
      %parallel_loop3A_114 = arith.constant 0.000000e+00 : f32
      %parallel_loop3A_115 = vector.broadcast %parallel_loop3A_114 : f32 to vector<16xf32>
      %parallel_loop3A_116 = arith.constant 0.000000e+00 : f32
      %parallel_loop3A_117 = vector.broadcast %parallel_loop3A_116 : f32 to vector<16xf32>
      %parallel_loop3A_118 = vector.extract_strided_slice %parallel_loop3A_102 {offsets = [0], sizes = [1], strides = [1]} : vector<16xf32> to vector<1xf32>
      %parallel_loop3A_119 = vector.extract %parallel_loop3A_118[0] : f32 from vector<1xf32>
      %parallel_loop3A_120 = vector.extract_strided_slice %parallel_loop3A_106 {offsets = [0], sizes = [1], strides = [1]} : vector<16xi32> to vector<1xi32>
      %parallel_loop3A_121 = vector.extract %parallel_loop3A_120[0] : i32 from vector<1xi32>
      %parallel_loop3A_122 = arith.index_cast %parallel_loop3A_121 : i32 to index
      %parallel_loop3A_123 = tpu.vector_load %arg8[%parallel_loop3A_122] {strides = array<i32>} : memref<65536xf32, #tpu.memory_space<vmem>>, vector<16xf32>,
      %parallel_loop3A_124 = vector.broadcast %parallel_loop3A_119 : f32 to vector<16xf32>
      %parallel_loop3A_125 = arith.mulf %parallel_loop3A_124, %parallel_loop3A_123 : vector<16xf32>
      %parallel_loop3A_126 = arith.addf %parallel_loop3A_111, %parallel_loop3A_125 : vector<16xf32>
      %parallel_loop3A_127 = arith.constant 16 : i32
      %parallel_loop3A_128 = arith.addi %parallel_loop3A_121, %parallel_loop3A_127 : i32
      %parallel_loop3A_129 = arith.index_cast %parallel_loop3A_128 : i32 to index
      %parallel_loop3A_130 = tpu.vector_load %arg8[%parallel_loop3A_129] {strides = array<i32>} : memref<65536xf32, #tpu.memory_space<vmem>>, vector<16xf32>,
      %parallel_loop3A_131 = vector.broadcast %parallel_loop3A_119 : f32 to vector<16xf32>
      %parallel_loop3A_132 = arith.mulf %parallel_loop3A_131, %parallel_loop3A_130 : vector<16xf32>
      %parallel_loop3A_133 = arith.addf %parallel_loop3A_113, %parallel_loop3A_132 : vector<16xf32>
      %parallel_loop3A_134 = arith.constant 32 : i32
      %parallel_loop3A_135 = arith.addi %parallel_loop3A_121, %parallel_loop3A_134 : i32
      %parallel_loop3A_136 = arith.index_cast %parallel_loop3A_135 : i32 to index
      %parallel_loop3A_137 = tpu.vector_load %arg8[%parallel_loop3A_136] {strides = array<i32>} : memref<65536xf32, #tpu.memory_space<vmem>>, vector<16xf32>,
      %parallel_loop3A_138 = vector.broadcast %parallel_loop3A_119 : f32 to vector<16xf32>
      %parallel_loop3A_139 = arith.mulf %parallel_loop3A_138, %parallel_loop3A_137 : vector<16xf32>
      %parallel_loop3A_140 = arith.addf %parallel_loop3A_115, %parallel_loop3A_139 : vector<16xf32>
      %parallel_loop3A_141 = arith.constant 48 : i32
      %parallel_loop3A_142 = arith.addi %parallel_loop3A_121, %parallel_loop3A_141 : i32
      %parallel_loop3A_143 = arith.index_cast %parallel_loop3A_142 : i32 to index
      %parallel_loop3A_144 = tpu.vector_load %arg8[%parallel_loop3A_143] {strides = array<i32>} : memref<65536xf32, #tpu.memory_space<vmem>>, vector<16xf32>,
      %parallel_loop3A_145 = vector.broadcast %parallel_loop3A_119 : f32 to vector<16xf32>
      %parallel_loop3A_146 = arith.mulf %parallel_loop3A_145, %parallel_loop3A_144 : vector<16xf32>
      %parallel_loop3A_147 = arith.addf %parallel_loop3A_117, %parallel_loop3A_146 : vector<16xf32>
      %parallel_loop3A_148 = vector.extract_strided_slice %parallel_loop3A_102 {offsets = [1], sizes = [1], strides = [1]} : vector<16xf32> to vector<1xf32>
      %parallel_loop3A_149 = vector.extract %parallel_loop3A_148[0] : f32 from vector<1xf32>
      %parallel_loop3A_150 = vector.extract_strided_slice %parallel_loop3A_106 {offsets = [1], sizes = [1], strides = [1]} : vector<16xi32> to vector<1xi32>
      %parallel_loop3A_151 = vector.extract %parallel_loop3A_150[0] : i32 from vector<1xi32>
      %parallel_loop3A_152 = arith.index_cast %parallel_loop3A_151 : i32 to index
      %parallel_loop3A_153 = tpu.vector_load %arg8[%parallel_loop3A_152] {strides = array<i32>} : memref<65536xf32, #tpu.memory_space<vmem>>, vector<16xf32>,
      %parallel_loop3A_154 = vector.broadcast %parallel_loop3A_149 : f32 to vector<16xf32>
      %parallel_loop3A_155 = arith.mulf %parallel_loop3A_154, %parallel_loop3A_153 : vector<16xf32>
      %parallel_loop3A_156 = arith.addf %parallel_loop3A_126, %parallel_loop3A_155 : vector<16xf32>
      %parallel_loop3A_157 = arith.constant 16 : i32
      %parallel_loop3A_158 = arith.addi %parallel_loop3A_151, %parallel_loop3A_157 : i32
      %parallel_loop3A_159 = arith.index_cast %parallel_loop3A_158 : i32 to index
      %parallel_loop3A_160 = tpu.vector_load %arg8[%parallel_loop3A_159] {strides = array<i32>} : memref<65536xf32, #tpu.memory_space<vmem>>, vector<16xf32>,
      %parallel_loop3A_161 = vector.broadcast %parallel_loop3A_149 : f32 to vector<16xf32>
      %parallel_loop3A_162 = arith.mulf %parallel_loop3A_161, %parallel_loop3A_160 : vector<16xf32>
      %parallel_loop3A_163 = arith.addf %parallel_loop3A_133, %parallel_loop3A_162 : vector<16xf32>
      %parallel_loop3A_164 = arith.constant 32 : i32
      %parallel_loop3A_165 = arith.addi %parallel_loop3A_151, %parallel_loop3A_164 : i32
      %parallel_loop3A_166 = arith.index_cast %parallel_loop3A_165 : i32 to index
      %parallel_loop3A_167 = tpu.vector_load %arg8[%parallel_loop3A_166] {strides = array<i32>} : memref<65536xf32, #tpu.memory_space<vmem>>, vector<16xf32>,
      %parallel_loop3A_168 = vector.broadcast %parallel_loop3A_149 : f32 to vector<16xf32>
      %parallel_loop3A_169 = arith.mulf %parallel_loop3A_168, %parallel_loop3A_167 : vector<16xf32>
      %parallel_loop3A_170 = arith.addf %parallel_loop3A_140, %parallel_loop3A_169 : vector<16xf32>
      %parallel_loop3A_171 = arith.constant 48 : i32
      %parallel_loop3A_172 = arith.addi %parallel_loop3A_151, %parallel_loop3A_171 : i32
      %parallel_loop3A_173 = arith.index_cast %parallel_loop3A_172 : i32 to index
      %parallel_loop3A_174 = tpu.vector_load %arg8[%parallel_loop3A_173] {strides = array<i32>} : memref<65536xf32, #tpu.memory_space<vmem>>, vector<16xf32>,
      %parallel_loop3A_175 = vector.broadcast %parallel_loop3A_149 : f32 to vector<16xf32>
      %parallel_loop3A_176 = arith.mulf %parallel_loop3A_175, %parallel_loop3A_174 : vector<16xf32>
      %parallel_loop3A_177 = arith.addf %parallel_loop3A_147, %parallel_loop3A_176 : vector<16xf32>
      %parallel_loop3A_178 = vector.extract_strided_slice %parallel_loop3A_102 {offsets = [2], sizes = [1], strides = [1]} : vector<16xf32> to vector<1xf32>
      %parallel_loop3A_179 = vector.extract %parallel_loop3A_178[0] : f32 from vector<1xf32>
      %parallel_loop3A_180 = vector.extract_strided_slice %parallel_loop3A_106 {offsets = [2], sizes = [1], strides = [1]} : vector<16xi32> to vector<1xi32>
      %parallel_loop3A_181 = vector.extract %parallel_loop3A_180[0] : i32 from vector<1xi32>
      %parallel_loop3A_182 = arith.index_cast %parallel_loop3A_181 : i32 to index
      %parallel_loop3A_183 = tpu.vector_load %arg8[%parallel_loop3A_182] {strides = array<i32>} : memref<65536xf32, #tpu.memory_space<vmem>>, vector<16xf32>,
      %parallel_loop3A_184 = vector.broadcast %parallel_loop3A_179 : f32 to vector<16xf32>
      %parallel_loop3A_185 = arith.mulf %parallel_loop3A_184, %parallel_loop3A_183 : vector<16xf32>
      %parallel_loop3A_186 = arith.addf %parallel_loop3A_156, %parallel_loop3A_185 : vector<16xf32>
      %parallel_loop3A_187 = arith.constant 16 : i32
      %parallel_loop3A_188 = arith.addi %parallel_loop3A_181, %parallel_loop3A_187 : i32
      %parallel_loop3A_189 = arith.index_cast %parallel_loop3A_188 : i32 to index
      %parallel_loop3A_190 = tpu.vector_load %arg8[%parallel_loop3A_189] {strides = array<i32>} : memref<65536xf32, #tpu.memory_space<vmem>>, vector<16xf32>,
      %parallel_loop3A_191 = vector.broadcast %parallel_loop3A_179 : f32 to vector<16xf32>
      %parallel_loop3A_192 = arith.mulf %parallel_loop3A_191, %parallel_loop3A_190 : vector<16xf32>
      %parallel_loop3A_193 = arith.addf %parallel_loop3A_163, %parallel_loop3A_192 : vector<16xf32>
      %parallel_loop3A_194 = arith.constant 32 : i32
      %parallel_loop3A_195 = arith.addi %parallel_loop3A_181, %parallel_loop3A_194 : i32
      %parallel_loop3A_196 = arith.index_cast %parallel_loop3A_195 : i32 to index
      %parallel_loop3A_197 = tpu.vector_load %arg8[%parallel_loop3A_196] {strides = array<i32>} : memref<65536xf32, #tpu.memory_space<vmem>>, vector<16xf32>,
      %parallel_loop3A_198 = vector.broadcast %parallel_loop3A_179 : f32 to vector<16xf32>
      %parallel_loop3A_199 = arith.mulf %parallel_loop3A_198, %parallel_loop3A_197 : vector<16xf32>
      %parallel_loop3A_200 = arith.addf %parallel_loop3A_170, %parallel_loop3A_199 : vector<16xf32>
      %parallel_loop3A_201 = arith.constant 48 : i32
      %parallel_loop3A_202 = arith.addi %parallel_loop3A_181, %parallel_loop3A_201 : i32
      %parallel_loop3A_203 = arith.index_cast %parallel_loop3A_202 : i32 to index
      %parallel_loop3A_204 = tpu.vector_load %arg8[%parallel_loop3A_203] {strides = array<i32>} : memref<65536xf32, #tpu.memory_space<vmem>>, vector<16xf32>,
      %parallel_loop3A_205 = vector.broadcast %parallel_loop3A_179 : f32 to vector<16xf32>
      %parallel_loop3A_206 = arith.mulf %parallel_loop3A_205, %parallel_loop3A_204 : vector<16xf32>
      %parallel_loop3A_207 = arith.addf %parallel_loop3A_177, %parallel_loop3A_206 : vector<16xf32>
      %parallel_loop3A_208 = vector.extract_strided_slice %parallel_loop3A_102 {offsets = [3], sizes = [1], strides = [1]} : vector<16xf32> to vector<1xf32>
      %parallel_loop3A_209 = vector.extract %parallel_loop3A_208[0] : f32 from vector<1xf32>
      %parallel_loop3A_210 = vector.extract_strided_slice %parallel_loop3A_106 {offsets = [3], sizes = [1], strides = [1]} : vector<16xi32> to vector<1xi32>
      %parallel_loop3A_211 = vector.extract %parallel_loop3A_210[0] : i32 from vector<1xi32>
      %parallel_loop3A_212 = arith.index_cast %parallel_loop3A_211 : i32 to index
      %parallel_loop3A_213 = tpu.vector_load %arg8[%parallel_loop3A_212] {strides = array<i32>} : memref<65536xf32, #tpu.memory_space<vmem>>, vector<16xf32>,
      %parallel_loop3A_214 = vector.broadcast %parallel_loop3A_209 : f32 to vector<16xf32>
      %parallel_loop3A_215 = arith.mulf %parallel_loop3A_214, %parallel_loop3A_213 : vector<16xf32>
      %parallel_loop3A_216 = arith.addf %parallel_loop3A_186, %parallel_loop3A_215 : vector<16xf32>
      %parallel_loop3A_217 = arith.constant 16 : i32
      %parallel_loop3A_218 = arith.addi %parallel_loop3A_211, %parallel_loop3A_217 : i32
      %parallel_loop3A_219 = arith.index_cast %parallel_loop3A_218 : i32 to index
      %parallel_loop3A_220 = tpu.vector_load %arg8[%parallel_loop3A_219] {strides = array<i32>} : memref<65536xf32, #tpu.memory_space<vmem>>, vector<16xf32>,
      %parallel_loop3A_221 = vector.broadcast %parallel_loop3A_209 : f32 to vector<16xf32>
      %parallel_loop3A_222 = arith.mulf %parallel_loop3A_221, %parallel_loop3A_220 : vector<16xf32>
      %parallel_loop3A_223 = arith.addf %parallel_loop3A_193, %parallel_loop3A_222 : vector<16xf32>
      %parallel_loop3A_224 = arith.constant 32 : i32
      %parallel_loop3A_225 = arith.addi %parallel_loop3A_211, %parallel_loop3A_224 : i32
      %parallel_loop3A_226 = arith.index_cast %parallel_loop3A_225 : i32 to index
      %parallel_loop3A_227 = tpu.vector_load %arg8[%parallel_loop3A_226] {strides = array<i32>} : memref<65536xf32, #tpu.memory_space<vmem>>, vector<16xf32>,
      %parallel_loop3A_228 = vector.broadcast %parallel_loop3A_209 : f32 to vector<16xf32>
      %parallel_loop3A_229 = arith.mulf %parallel_loop3A_228, %parallel_loop3A_227 : vector<16xf32>
      %parallel_loop3A_230 = arith.addf %parallel_loop3A_200, %parallel_loop3A_229 : vector<16xf32>
      %parallel_loop3A_231 = arith.constant 48 : i32
      %parallel_loop3A_232 = arith.addi %parallel_loop3A_211, %parallel_loop3A_231 : i32
      %parallel_loop3A_233 = arith.index_cast %parallel_loop3A_232 : i32 to index
      %parallel_loop3A_234 = tpu.vector_load %arg8[%parallel_loop3A_233] {strides = array<i32>} : memref<65536xf32, #tpu.memory_space<vmem>>, vector<16xf32>,
      %parallel_loop3A_235 = vector.broadcast %parallel_loop3A_209 : f32 to vector<16xf32>
      %parallel_loop3A_236 = arith.mulf %parallel_loop3A_235, %parallel_loop3A_234 : vector<16xf32>
      %parallel_loop3A_237 = arith.addf %parallel_loop3A_207, %parallel_loop3A_236 : vector<16xf32>
      %parallel_loop3A_238 = vector.extract_strided_slice %parallel_loop3A_102 {offsets = [4], sizes = [1], strides = [1]} : vector<16xf32> to vector<1xf32>
      %parallel_loop3A_239 = vector.extract %parallel_loop3A_238[0] : f32 from vector<1xf32>
      %parallel_loop3A_240 = vector.extract_strided_slice %parallel_loop3A_106 {offsets = [4], sizes = [1], strides = [1]} : vector<16xi32> to vector<1xi32>
      %parallel_loop3A_241 = vector.extract %parallel_loop3A_240[0] : i32 from vector<1xi32>
      %parallel_loop3A_242 = arith.index_cast %parallel_loop3A_241 : i32 to index
      %parallel_loop3A_243 = tpu.vector_load %arg8[%parallel_loop3A_242] {strides = array<i32>} : memref<65536xf32, #tpu.memory_space<vmem>>, vector<16xf32>,
      %parallel_loop3A_244 = vector.broadcast %parallel_loop3A_239 : f32 to vector<16xf32>
      %parallel_loop3A_245 = arith.mulf %parallel_loop3A_244, %parallel_loop3A_243 : vector<16xf32>
      %parallel_loop3A_246 = arith.addf %parallel_loop3A_216, %parallel_loop3A_245 : vector<16xf32>
      %parallel_loop3A_247 = arith.constant 16 : i32
      %parallel_loop3A_248 = arith.addi %parallel_loop3A_241, %parallel_loop3A_247 : i32
      %parallel_loop3A_249 = arith.index_cast %parallel_loop3A_248 : i32 to index
      %parallel_loop3A_250 = tpu.vector_load %arg8[%parallel_loop3A_249] {strides = array<i32>} : memref<65536xf32, #tpu.memory_space<vmem>>, vector<16xf32>,
      %parallel_loop3A_251 = vector.broadcast %parallel_loop3A_239 : f32 to vector<16xf32>
      %parallel_loop3A_252 = arith.mulf %parallel_loop3A_251, %parallel_loop3A_250 : vector<16xf32>
      %parallel_loop3A_253 = arith.addf %parallel_loop3A_223, %parallel_loop3A_252 : vector<16xf32>
      %parallel_loop3A_254 = arith.constant 32 : i32
      %parallel_loop3A_255 = arith.addi %parallel_loop3A_241, %parallel_loop3A_254 : i32
      %parallel_loop3A_256 = arith.index_cast %parallel_loop3A_255 : i32 to index
      %parallel_loop3A_257 = tpu.vector_load %arg8[%parallel_loop3A_256] {strides = array<i32>} : memref<65536xf32, #tpu.memory_space<vmem>>, vector<16xf32>,
      %parallel_loop3A_258 = vector.broadcast %parallel_loop3A_239 : f32 to vector<16xf32>
      %parallel_loop3A_259 = arith.mulf %parallel_loop3A_258, %parallel_loop3A_257 : vector<16xf32>
      %parallel_loop3A_260 = arith.addf %parallel_loop3A_230, %parallel_loop3A_259 : vector<16xf32>
      %parallel_loop3A_261 = arith.constant 48 : i32
      %parallel_loop3A_262 = arith.addi %parallel_loop3A_241, %parallel_loop3A_261 : i32
      %parallel_loop3A_263 = arith.index_cast %parallel_loop3A_262 : i32 to index
      %parallel_loop3A_264 = tpu.vector_load %arg8[%parallel_loop3A_263] {strides = array<i32>} : memref<65536xf32, #tpu.memory_space<vmem>>, vector<16xf32>,
      %parallel_loop3A_265 = vector.broadcast %parallel_loop3A_239 : f32 to vector<16xf32>
      %parallel_loop3A_266 = arith.mulf %parallel_loop3A_265, %parallel_loop3A_264 : vector<16xf32>
      %parallel_loop3A_267 = arith.addf %parallel_loop3A_237, %parallel_loop3A_266 : vector<16xf32>
      %parallel_loop3A_268 = vector.extract_strided_slice %parallel_loop3A_102 {offsets = [5], sizes = [1], strides = [1]} : vector<16xf32> to vector<1xf32>
      %parallel_loop3A_269 = vector.extract %parallel_loop3A_268[0] : f32 from vector<1xf32>
      %parallel_loop3A_270 = vector.extract_strided_slice %parallel_loop3A_106 {offsets = [5], sizes = [1], strides = [1]} : vector<16xi32> to vector<1xi32>
      %parallel_loop3A_271 = vector.extract %parallel_loop3A_270[0] : i32 from vector<1xi32>
      %parallel_loop3A_272 = arith.index_cast %parallel_loop3A_271 : i32 to index
      %parallel_loop3A_273 = tpu.vector_load %arg8[%parallel_loop3A_272] {strides = array<i32>} : memref<65536xf32, #tpu.memory_space<vmem>>, vector<16xf32>,
      %parallel_loop3A_274 = vector.broadcast %parallel_loop3A_269 : f32 to vector<16xf32>
      %parallel_loop3A_275 = arith.mulf %parallel_loop3A_274, %parallel_loop3A_273 : vector<16xf32>
      %parallel_loop3A_276 = arith.addf %parallel_loop3A_246, %parallel_loop3A_275 : vector<16xf32>
      %parallel_loop3A_277 = arith.constant 16 : i32
      %parallel_loop3A_278 = arith.addi %parallel_loop3A_271, %parallel_loop3A_277 : i32
      %parallel_loop3A_279 = arith.index_cast %parallel_loop3A_278 : i32 to index
      %parallel_loop3A_280 = tpu.vector_load %arg8[%parallel_loop3A_279] {strides = array<i32>} : memref<65536xf32, #tpu.memory_space<vmem>>, vector<16xf32>,
      %parallel_loop3A_281 = vector.broadcast %parallel_loop3A_269 : f32 to vector<16xf32>
      %parallel_loop3A_282 = arith.mulf %parallel_loop3A_281, %parallel_loop3A_280 : vector<16xf32>
      %parallel_loop3A_283 = arith.addf %parallel_loop3A_253, %parallel_loop3A_282 : vector<16xf32>
      %parallel_loop3A_284 = arith.constant 32 : i32
      %parallel_loop3A_285 = arith.addi %parallel_loop3A_271, %parallel_loop3A_284 : i32
      %parallel_loop3A_286 = arith.index_cast %parallel_loop3A_285 : i32 to index
      %parallel_loop3A_287 = tpu.vector_load %arg8[%parallel_loop3A_286] {strides = array<i32>} : memref<65536xf32, #tpu.memory_space<vmem>>, vector<16xf32>,
      %parallel_loop3A_288 = vector.broadcast %parallel_loop3A_269 : f32 to vector<16xf32>
      %parallel_loop3A_289 = arith.mulf %parallel_loop3A_288, %parallel_loop3A_287 : vector<16xf32>
      %parallel_loop3A_290 = arith.addf %parallel_loop3A_260, %parallel_loop3A_289 : vector<16xf32>
      %parallel_loop3A_291 = arith.constant 48 : i32
      %parallel_loop3A_292 = arith.addi %parallel_loop3A_271, %parallel_loop3A_291 : i32
      %parallel_loop3A_293 = arith.index_cast %parallel_loop3A_292 : i32 to index
      %parallel_loop3A_294 = tpu.vector_load %arg8[%parallel_loop3A_293] {strides = array<i32>} : memref<65536xf32, #tpu.memory_space<vmem>>, vector<16xf32>,
      %parallel_loop3A_295 = vector.broadcast %parallel_loop3A_269 : f32 to vector<16xf32>
      %parallel_loop3A_296 = arith.mulf %parallel_loop3A_295, %parallel_loop3A_294 : vector<16xf32>
      %parallel_loop3A_297 = arith.addf %parallel_loop3A_267, %parallel_loop3A_296 : vector<16xf32>
      %parallel_loop3A_298 = vector.extract_strided_slice %parallel_loop3A_102 {offsets = [6], sizes = [1], strides = [1]} : vector<16xf32> to vector<1xf32>
      %parallel_loop3A_299 = vector.extract %parallel_loop3A_298[0] : f32 from vector<1xf32>
      %parallel_loop3A_300 = vector.extract_strided_slice %parallel_loop3A_106 {offsets = [6], sizes = [1], strides = [1]} : vector<16xi32> to vector<1xi32>
      %parallel_loop3A_301 = vector.extract %parallel_loop3A_300[0] : i32 from vector<1xi32>
      %parallel_loop3A_302 = arith.index_cast %parallel_loop3A_301 : i32 to index
      %parallel_loop3A_303 = tpu.vector_load %arg8[%parallel_loop3A_302] {strides = array<i32>} : memref<65536xf32, #tpu.memory_space<vmem>>, vector<16xf32>,
      %parallel_loop3A_304 = vector.broadcast %parallel_loop3A_299 : f32 to vector<16xf32>
      %parallel_loop3A_305 = arith.mulf %parallel_loop3A_304, %parallel_loop3A_303 : vector<16xf32>
      %parallel_loop3A_306 = arith.addf %parallel_loop3A_276, %parallel_loop3A_305 : vector<16xf32>
      %parallel_loop3A_307 = arith.constant 16 : i32
      %parallel_loop3A_308 = arith.addi %parallel_loop3A_301, %parallel_loop3A_307 : i32
      %parallel_loop3A_309 = arith.index_cast %parallel_loop3A_308 : i32 to index
      %parallel_loop3A_310 = tpu.vector_load %arg8[%parallel_loop3A_309] {strides = array<i32>} : memref<65536xf32, #tpu.memory_space<vmem>>, vector<16xf32>,
      %parallel_loop3A_311 = vector.broadcast %parallel_loop3A_299 : f32 to vector<16xf32>
      %parallel_loop3A_312 = arith.mulf %parallel_loop3A_311, %parallel_loop3A_310 : vector<16xf32>
      %parallel_loop3A_313 = arith.addf %parallel_loop3A_283, %parallel_loop3A_312 : vector<16xf32>
      %parallel_loop3A_314 = arith.constant 32 : i32
      %parallel_loop3A_315 = arith.addi %parallel_loop3A_301, %parallel_loop3A_314 : i32
      %parallel_loop3A_316 = arith.index_cast %parallel_loop3A_315 : i32 to index
      %parallel_loop3A_317 = tpu.vector_load %arg8[%parallel_loop3A_316] {strides = array<i32>} : memref<65536xf32, #tpu.memory_space<vmem>>, vector<16xf32>,
      %parallel_loop3A_318 = vector.broadcast %parallel_loop3A_299 : f32 to vector<16xf32>
      %parallel_loop3A_319 = arith.mulf %parallel_loop3A_318, %parallel_loop3A_317 : vector<16xf32>
      %parallel_loop3A_320 = arith.addf %parallel_loop3A_290, %parallel_loop3A_319 : vector<16xf32>
      %parallel_loop3A_321 = arith.constant 48 : i32
      %parallel_loop3A_322 = arith.addi %parallel_loop3A_301, %parallel_loop3A_321 : i32
      %parallel_loop3A_323 = arith.index_cast %parallel_loop3A_322 : i32 to index
      %parallel_loop3A_324 = tpu.vector_load %arg8[%parallel_loop3A_323] {strides = array<i32>} : memref<65536xf32, #tpu.memory_space<vmem>>, vector<16xf32>,
      %parallel_loop3A_325 = vector.broadcast %parallel_loop3A_299 : f32 to vector<16xf32>
      %parallel_loop3A_326 = arith.mulf %parallel_loop3A_325, %parallel_loop3A_324 : vector<16xf32>
      %parallel_loop3A_327 = arith.addf %parallel_loop3A_297, %parallel_loop3A_326 : vector<16xf32>
      %parallel_loop3A_328 = vector.extract_strided_slice %parallel_loop3A_102 {offsets = [7], sizes = [1], strides = [1]} : vector<16xf32> to vector<1xf32>
      %parallel_loop3A_329 = vector.extract %parallel_loop3A_328[0] : f32 from vector<1xf32>
      %parallel_loop3A_330 = vector.extract_strided_slice %parallel_loop3A_106 {offsets = [7], sizes = [1], strides = [1]} : vector<16xi32> to vector<1xi32>
      %parallel_loop3A_331 = vector.extract %parallel_loop3A_330[0] : i32 from vector<1xi32>
      %parallel_loop3A_332 = arith.index_cast %parallel_loop3A_331 : i32 to index
      %parallel_loop3A_333 = tpu.vector_load %arg8[%parallel_loop3A_332] {strides = array<i32>} : memref<65536xf32, #tpu.memory_space<vmem>>, vector<16xf32>,
      %parallel_loop3A_334 = vector.broadcast %parallel_loop3A_329 : f32 to vector<16xf32>
      %parallel_loop3A_335 = arith.mulf %parallel_loop3A_334, %parallel_loop3A_333 : vector<16xf32>
      %parallel_loop3A_336 = arith.addf %parallel_loop3A_306, %parallel_loop3A_335 : vector<16xf32>
      %parallel_loop3A_337 = arith.constant 16 : i32
      %parallel_loop3A_338 = arith.addi %parallel_loop3A_331, %parallel_loop3A_337 : i32
      %parallel_loop3A_339 = arith.index_cast %parallel_loop3A_338 : i32 to index
      %parallel_loop3A_340 = tpu.vector_load %arg8[%parallel_loop3A_339] {strides = array<i32>} : memref<65536xf32, #tpu.memory_space<vmem>>, vector<16xf32>,
      %parallel_loop3A_341 = vector.broadcast %parallel_loop3A_329 : f32 to vector<16xf32>
      %parallel_loop3A_342 = arith.mulf %parallel_loop3A_341, %parallel_loop3A_340 : vector<16xf32>
      %parallel_loop3A_343 = arith.addf %parallel_loop3A_313, %parallel_loop3A_342 : vector<16xf32>
      %parallel_loop3A_344 = arith.constant 32 : i32
      %parallel_loop3A_345 = arith.addi %parallel_loop3A_331, %parallel_loop3A_344 : i32
      %parallel_loop3A_346 = arith.index_cast %parallel_loop3A_345 : i32 to index
      %parallel_loop3A_347 = tpu.vector_load %arg8[%parallel_loop3A_346] {strides = array<i32>} : memref<65536xf32, #tpu.memory_space<vmem>>, vector<16xf32>,
      %parallel_loop3A_348 = vector.broadcast %parallel_loop3A_329 : f32 to vector<16xf32>
      %parallel_loop3A_349 = arith.mulf %parallel_loop3A_348, %parallel_loop3A_347 : vector<16xf32>
      %parallel_loop3A_350 = arith.addf %parallel_loop3A_320, %parallel_loop3A_349 : vector<16xf32>
      %parallel_loop3A_351 = arith.constant 48 : i32
      %parallel_loop3A_352 = arith.addi %parallel_loop3A_331, %parallel_loop3A_351 : i32
      %parallel_loop3A_353 = arith.index_cast %parallel_loop3A_352 : i32 to index
      %parallel_loop3A_354 = tpu.vector_load %arg8[%parallel_loop3A_353] {strides = array<i32>} : memref<65536xf32, #tpu.memory_space<vmem>>, vector<16xf32>,
      %parallel_loop3A_355 = vector.broadcast %parallel_loop3A_329 : f32 to vector<16xf32>
      %parallel_loop3A_356 = arith.mulf %parallel_loop3A_355, %parallel_loop3A_354 : vector<16xf32>
      %parallel_loop3A_357 = arith.addf %parallel_loop3A_327, %parallel_loop3A_356 : vector<16xf32>
      %parallel_loop3A_358 = vector.extract_strided_slice %parallel_loop3A_102 {offsets = [8], sizes = [1], strides = [1]} : vector<16xf32> to vector<1xf32>
      %parallel_loop3A_359 = vector.extract %parallel_loop3A_358[0] : f32 from vector<1xf32>
      %parallel_loop3A_360 = vector.extract_strided_slice %parallel_loop3A_106 {offsets = [8], sizes = [1], strides = [1]} : vector<16xi32> to vector<1xi32>
      %parallel_loop3A_361 = vector.extract %parallel_loop3A_360[0] : i32 from vector<1xi32>
      %parallel_loop3A_362 = arith.index_cast %parallel_loop3A_361 : i32 to index
      %parallel_loop3A_363 = tpu.vector_load %arg8[%parallel_loop3A_362] {strides = array<i32>} : memref<65536xf32, #tpu.memory_space<vmem>>, vector<16xf32>,
      %parallel_loop3A_364 = vector.broadcast %parallel_loop3A_359 : f32 to vector<16xf32>
      %parallel_loop3A_365 = arith.mulf %parallel_loop3A_364, %parallel_loop3A_363 : vector<16xf32>
      %parallel_loop3A_366 = arith.addf %parallel_loop3A_336, %parallel_loop3A_365 : vector<16xf32>
      %parallel_loop3A_367 = arith.constant 16 : i32
      %parallel_loop3A_368 = arith.addi %parallel_loop3A_361, %parallel_loop3A_367 : i32
      %parallel_loop3A_369 = arith.index_cast %parallel_loop3A_368 : i32 to index
      %parallel_loop3A_370 = tpu.vector_load %arg8[%parallel_loop3A_369] {strides = array<i32>} : memref<65536xf32, #tpu.memory_space<vmem>>, vector<16xf32>,
      %parallel_loop3A_371 = vector.broadcast %parallel_loop3A_359 : f32 to vector<16xf32>
      %parallel_loop3A_372 = arith.mulf %parallel_loop3A_371, %parallel_loop3A_370 : vector<16xf32>
      %parallel_loop3A_373 = arith.addf %parallel_loop3A_343, %parallel_loop3A_372 : vector<16xf32>
      %parallel_loop3A_374 = arith.constant 32 : i32
      %parallel_loop3A_375 = arith.addi %parallel_loop3A_361, %parallel_loop3A_374 : i32
      %parallel_loop3A_376 = arith.index_cast %parallel_loop3A_375 : i32 to index
      %parallel_loop3A_377 = tpu.vector_load %arg8[%parallel_loop3A_376] {strides = array<i32>} : memref<65536xf32, #tpu.memory_space<vmem>>, vector<16xf32>,
      %parallel_loop3A_378 = vector.broadcast %parallel_loop3A_359 : f32 to vector<16xf32>
      %parallel_loop3A_379 = arith.mulf %parallel_loop3A_378, %parallel_loop3A_377 : vector<16xf32>
      %parallel_loop3A_380 = arith.addf %parallel_loop3A_350, %parallel_loop3A_379 : vector<16xf32>
      %parallel_loop3A_381 = arith.constant 48 : i32
      %parallel_loop3A_382 = arith.addi %parallel_loop3A_361, %parallel_loop3A_381 : i32
      %parallel_loop3A_383 = arith.index_cast %parallel_loop3A_382 : i32 to index
      %parallel_loop3A_384 = tpu.vector_load %arg8[%parallel_loop3A_383] {strides = array<i32>} : memref<65536xf32, #tpu.memory_space<vmem>>, vector<16xf32>,
      %parallel_loop3A_385 = vector.broadcast %parallel_loop3A_359 : f32 to vector<16xf32>
      %parallel_loop3A_386 = arith.mulf %parallel_loop3A_385, %parallel_loop3A_384 : vector<16xf32>
      %parallel_loop3A_387 = arith.addf %parallel_loop3A_357, %parallel_loop3A_386 : vector<16xf32>
      %parallel_loop3A_388 = vector.extract_strided_slice %parallel_loop3A_102 {offsets = [9], sizes = [1], strides = [1]} : vector<16xf32> to vector<1xf32>
      %parallel_loop3A_389 = vector.extract %parallel_loop3A_388[0] : f32 from vector<1xf32>
      %parallel_loop3A_390 = vector.extract_strided_slice %parallel_loop3A_106 {offsets = [9], sizes = [1], strides = [1]} : vector<16xi32> to vector<1xi32>
      %parallel_loop3A_391 = vector.extract %parallel_loop3A_390[0] : i32 from vector<1xi32>
      %parallel_loop3A_392 = arith.index_cast %parallel_loop3A_391 : i32 to index
      %parallel_loop3A_393 = tpu.vector_load %arg8[%parallel_loop3A_392] {strides = array<i32>} : memref<65536xf32, #tpu.memory_space<vmem>>, vector<16xf32>,
      %parallel_loop3A_394 = vector.broadcast %parallel_loop3A_389 : f32 to vector<16xf32>
      %parallel_loop3A_395 = arith.mulf %parallel_loop3A_394, %parallel_loop3A_393 : vector<16xf32>
      %parallel_loop3A_396 = arith.addf %parallel_loop3A_366, %parallel_loop3A_395 : vector<16xf32>
      %parallel_loop3A_397 = arith.constant 16 : i32
      %parallel_loop3A_398 = arith.addi %parallel_loop3A_391, %parallel_loop3A_397 : i32
      %parallel_loop3A_399 = arith.index_cast %parallel_loop3A_398 : i32 to index
      %parallel_loop3A_400 = tpu.vector_load %arg8[%parallel_loop3A_399] {strides = array<i32>} : memref<65536xf32, #tpu.memory_space<vmem>>, vector<16xf32>,
      %parallel_loop3A_401 = vector.broadcast %parallel_loop3A_389 : f32 to vector<16xf32>
      %parallel_loop3A_402 = arith.mulf %parallel_loop3A_401, %parallel_loop3A_400 : vector<16xf32>
      %parallel_loop3A_403 = arith.addf %parallel_loop3A_373, %parallel_loop3A_402 : vector<16xf32>
      %parallel_loop3A_404 = arith.constant 32 : i32
      %parallel_loop3A_405 = arith.addi %parallel_loop3A_391, %parallel_loop3A_404 : i32
      %parallel_loop3A_406 = arith.index_cast %parallel_loop3A_405 : i32 to index
      %parallel_loop3A_407 = tpu.vector_load %arg8[%parallel_loop3A_406] {strides = array<i32>} : memref<65536xf32, #tpu.memory_space<vmem>>, vector<16xf32>,
      %parallel_loop3A_408 = vector.broadcast %parallel_loop3A_389 : f32 to vector<16xf32>
      %parallel_loop3A_409 = arith.mulf %parallel_loop3A_408, %parallel_loop3A_407 : vector<16xf32>
      %parallel_loop3A_410 = arith.addf %parallel_loop3A_380, %parallel_loop3A_409 : vector<16xf32>
      %parallel_loop3A_411 = arith.constant 48 : i32
      %parallel_loop3A_412 = arith.addi %parallel_loop3A_391, %parallel_loop3A_411 : i32
      %parallel_loop3A_413 = arith.index_cast %parallel_loop3A_412 : i32 to index
      %parallel_loop3A_414 = tpu.vector_load %arg8[%parallel_loop3A_413] {strides = array<i32>} : memref<65536xf32, #tpu.memory_space<vmem>>, vector<16xf32>,
      %parallel_loop3A_415 = vector.broadcast %parallel_loop3A_389 : f32 to vector<16xf32>
      %parallel_loop3A_416 = arith.mulf %parallel_loop3A_415, %parallel_loop3A_414 : vector<16xf32>
      %parallel_loop3A_417 = arith.addf %parallel_loop3A_387, %parallel_loop3A_416 : vector<16xf32>
      %parallel_loop3A_418 = vector.extract_strided_slice %parallel_loop3A_102 {offsets = [10], sizes = [1], strides = [1]} : vector<16xf32> to vector<1xf32>
      %parallel_loop3A_419 = vector.extract %parallel_loop3A_418[0] : f32 from vector<1xf32>
      %parallel_loop3A_420 = vector.extract_strided_slice %parallel_loop3A_106 {offsets = [10], sizes = [1], strides = [1]} : vector<16xi32> to vector<1xi32>
      %parallel_loop3A_421 = vector.extract %parallel_loop3A_420[0] : i32 from vector<1xi32>
      %parallel_loop3A_422 = arith.index_cast %parallel_loop3A_421 : i32 to index
      %parallel_loop3A_423 = tpu.vector_load %arg8[%parallel_loop3A_422] {strides = array<i32>} : memref<65536xf32, #tpu.memory_space<vmem>>, vector<16xf32>,
      %parallel_loop3A_424 = vector.broadcast %parallel_loop3A_419 : f32 to vector<16xf32>
      %parallel_loop3A_425 = arith.mulf %parallel_loop3A_424, %parallel_loop3A_423 : vector<16xf32>
      %parallel_loop3A_426 = arith.addf %parallel_loop3A_396, %parallel_loop3A_425 : vector<16xf32>
      %parallel_loop3A_427 = arith.constant 16 : i32
      %parallel_loop3A_428 = arith.addi %parallel_loop3A_421, %parallel_loop3A_427 : i32
      %parallel_loop3A_429 = arith.index_cast %parallel_loop3A_428 : i32 to index
      %parallel_loop3A_430 = tpu.vector_load %arg8[%parallel_loop3A_429] {strides = array<i32>} : memref<65536xf32, #tpu.memory_space<vmem>>, vector<16xf32>,
      %parallel_loop3A_431 = vector.broadcast %parallel_loop3A_419 : f32 to vector<16xf32>
      %parallel_loop3A_432 = arith.mulf %parallel_loop3A_431, %parallel_loop3A_430 : vector<16xf32>
      %parallel_loop3A_433 = arith.addf %parallel_loop3A_403, %parallel_loop3A_432 : vector<16xf32>
      %parallel_loop3A_434 = arith.constant 32 : i32
      %parallel_loop3A_435 = arith.addi %parallel_loop3A_421, %parallel_loop3A_434 : i32
      %parallel_loop3A_436 = arith.index_cast %parallel_loop3A_435 : i32 to index
      %parallel_loop3A_437 = tpu.vector_load %arg8[%parallel_loop3A_436] {strides = array<i32>} : memref<65536xf32, #tpu.memory_space<vmem>>, vector<16xf32>,
      %parallel_loop3A_438 = vector.broadcast %parallel_loop3A_419 : f32 to vector<16xf32>
      %parallel_loop3A_439 = arith.mulf %parallel_loop3A_438, %parallel_loop3A_437 : vector<16xf32>
      %parallel_loop3A_440 = arith.addf %parallel_loop3A_410, %parallel_loop3A_439 : vector<16xf32>
      %parallel_loop3A_441 = arith.constant 48 : i32
      %parallel_loop3A_442 = arith.addi %parallel_loop3A_421, %parallel_loop3A_441 : i32
      %parallel_loop3A_443 = arith.index_cast %parallel_loop3A_442 : i32 to index
      %parallel_loop3A_444 = tpu.vector_load %arg8[%parallel_loop3A_443] {strides = array<i32>} : memref<65536xf32, #tpu.memory_space<vmem>>, vector<16xf32>,
      %parallel_loop3A_445 = vector.broadcast %parallel_loop3A_419 : f32 to vector<16xf32>
      %parallel_loop3A_446 = arith.mulf %parallel_loop3A_445, %parallel_loop3A_444 : vector<16xf32>
      %parallel_loop3A_447 = arith.addf %parallel_loop3A_417, %parallel_loop3A_446 : vector<16xf32>
      %parallel_loop3A_448 = vector.extract_strided_slice %parallel_loop3A_102 {offsets = [11], sizes = [1], strides = [1]} : vector<16xf32> to vector<1xf32>
      %parallel_loop3A_449 = vector.extract %parallel_loop3A_448[0] : f32 from vector<1xf32>
      %parallel_loop3A_450 = vector.extract_strided_slice %parallel_loop3A_106 {offsets = [11], sizes = [1], strides = [1]} : vector<16xi32> to vector<1xi32>
      %parallel_loop3A_451 = vector.extract %parallel_loop3A_450[0] : i32 from vector<1xi32>
      %parallel_loop3A_452 = arith.index_cast %parallel_loop3A_451 : i32 to index
      %parallel_loop3A_453 = tpu.vector_load %arg8[%parallel_loop3A_452] {strides = array<i32>} : memref<65536xf32, #tpu.memory_space<vmem>>, vector<16xf32>,
      %parallel_loop3A_454 = vector.broadcast %parallel_loop3A_449 : f32 to vector<16xf32>
      %parallel_loop3A_455 = arith.mulf %parallel_loop3A_454, %parallel_loop3A_453 : vector<16xf32>
      %parallel_loop3A_456 = arith.addf %parallel_loop3A_426, %parallel_loop3A_455 : vector<16xf32>
      %parallel_loop3A_457 = arith.constant 16 : i32
      %parallel_loop3A_458 = arith.addi %parallel_loop3A_451, %parallel_loop3A_457 : i32
      %parallel_loop3A_459 = arith.index_cast %parallel_loop3A_458 : i32 to index
      %parallel_loop3A_460 = tpu.vector_load %arg8[%parallel_loop3A_459] {strides = array<i32>} : memref<65536xf32, #tpu.memory_space<vmem>>, vector<16xf32>,
      %parallel_loop3A_461 = vector.broadcast %parallel_loop3A_449 : f32 to vector<16xf32>
      %parallel_loop3A_462 = arith.mulf %parallel_loop3A_461, %parallel_loop3A_460 : vector<16xf32>
      %parallel_loop3A_463 = arith.addf %parallel_loop3A_433, %parallel_loop3A_462 : vector<16xf32>
      %parallel_loop3A_464 = arith.constant 32 : i32
      %parallel_loop3A_465 = arith.addi %parallel_loop3A_451, %parallel_loop3A_464 : i32
      %parallel_loop3A_466 = arith.index_cast %parallel_loop3A_465 : i32 to index
      %parallel_loop3A_467 = tpu.vector_load %arg8[%parallel_loop3A_466] {strides = array<i32>} : memref<65536xf32, #tpu.memory_space<vmem>>, vector<16xf32>,
      %parallel_loop3A_468 = vector.broadcast %parallel_loop3A_449 : f32 to vector<16xf32>
      %parallel_loop3A_469 = arith.mulf %parallel_loop3A_468, %parallel_loop3A_467 : vector<16xf32>
      %parallel_loop3A_470 = arith.addf %parallel_loop3A_440, %parallel_loop3A_469 : vector<16xf32>
      %parallel_loop3A_471 = arith.constant 48 : i32
      %parallel_loop3A_472 = arith.addi %parallel_loop3A_451, %parallel_loop3A_471 : i32
      %parallel_loop3A_473 = arith.index_cast %parallel_loop3A_472 : i32 to index
      %parallel_loop3A_474 = tpu.vector_load %arg8[%parallel_loop3A_473] {strides = array<i32>} : memref<65536xf32, #tpu.memory_space<vmem>>, vector<16xf32>,
      %parallel_loop3A_475 = vector.broadcast %parallel_loop3A_449 : f32 to vector<16xf32>
      %parallel_loop3A_476 = arith.mulf %parallel_loop3A_475, %parallel_loop3A_474 : vector<16xf32>
      %parallel_loop3A_477 = arith.addf %parallel_loop3A_447, %parallel_loop3A_476 : vector<16xf32>
      %parallel_loop3A_478 = vector.extract_strided_slice %parallel_loop3A_102 {offsets = [12], sizes = [1], strides = [1]} : vector<16xf32> to vector<1xf32>
      %parallel_loop3A_479 = vector.extract %parallel_loop3A_478[0] : f32 from vector<1xf32>
      %parallel_loop3A_480 = vector.extract_strided_slice %parallel_loop3A_106 {offsets = [12], sizes = [1], strides = [1]} : vector<16xi32> to vector<1xi32>
      %parallel_loop3A_481 = vector.extract %parallel_loop3A_480[0] : i32 from vector<1xi32>
      %parallel_loop3A_482 = arith.index_cast %parallel_loop3A_481 : i32 to index
      %parallel_loop3A_483 = tpu.vector_load %arg8[%parallel_loop3A_482] {strides = array<i32>} : memref<65536xf32, #tpu.memory_space<vmem>>, vector<16xf32>,
      %parallel_loop3A_484 = vector.broadcast %parallel_loop3A_479 : f32 to vector<16xf32>
      %parallel_loop3A_485 = arith.mulf %parallel_loop3A_484, %parallel_loop3A_483 : vector<16xf32>
      %parallel_loop3A_486 = arith.addf %parallel_loop3A_456, %parallel_loop3A_485 : vector<16xf32>
      %parallel_loop3A_487 = arith.constant 16 : i32
      %parallel_loop3A_488 = arith.addi %parallel_loop3A_481, %parallel_loop3A_487 : i32
      %parallel_loop3A_489 = arith.index_cast %parallel_loop3A_488 : i32 to index
      %parallel_loop3A_490 = tpu.vector_load %arg8[%parallel_loop3A_489] {strides = array<i32>} : memref<65536xf32, #tpu.memory_space<vmem>>, vector<16xf32>,
      %parallel_loop3A_491 = vector.broadcast %parallel_loop3A_479 : f32 to vector<16xf32>
      %parallel_loop3A_492 = arith.mulf %parallel_loop3A_491, %parallel_loop3A_490 : vector<16xf32>
      %parallel_loop3A_493 = arith.addf %parallel_loop3A_463, %parallel_loop3A_492 : vector<16xf32>
      %parallel_loop3A_494 = arith.constant 32 : i32
      %parallel_loop3A_495 = arith.addi %parallel_loop3A_481, %parallel_loop3A_494 : i32
      %parallel_loop3A_496 = arith.index_cast %parallel_loop3A_495 : i32 to index
      %parallel_loop3A_497 = tpu.vector_load %arg8[%parallel_loop3A_496] {strides = array<i32>} : memref<65536xf32, #tpu.memory_space<vmem>>, vector<16xf32>,
      %parallel_loop3A_498 = vector.broadcast %parallel_loop3A_479 : f32 to vector<16xf32>
      %parallel_loop3A_499 = arith.mulf %parallel_loop3A_498, %parallel_loop3A_497 : vector<16xf32>
      %parallel_loop3A_500 = arith.addf %parallel_loop3A_470, %parallel_loop3A_499 : vector<16xf32>
      %parallel_loop3A_501 = arith.constant 48 : i32
      %parallel_loop3A_502 = arith.addi %parallel_loop3A_481, %parallel_loop3A_501 : i32
      %parallel_loop3A_503 = arith.index_cast %parallel_loop3A_502 : i32 to index
      %parallel_loop3A_504 = tpu.vector_load %arg8[%parallel_loop3A_503] {strides = array<i32>} : memref<65536xf32, #tpu.memory_space<vmem>>, vector<16xf32>,
      %parallel_loop3A_505 = vector.broadcast %parallel_loop3A_479 : f32 to vector<16xf32>
      %parallel_loop3A_506 = arith.mulf %parallel_loop3A_505, %parallel_loop3A_504 : vector<16xf32>
      %parallel_loop3A_507 = arith.addf %parallel_loop3A_477, %parallel_loop3A_506 : vector<16xf32>
      %parallel_loop3A_508 = vector.extract_strided_slice %parallel_loop3A_102 {offsets = [13], sizes = [1], strides = [1]} : vector<16xf32> to vector<1xf32>
      %parallel_loop3A_509 = vector.extract %parallel_loop3A_508[0] : f32 from vector<1xf32>
      %parallel_loop3A_510 = vector.extract_strided_slice %parallel_loop3A_106 {offsets = [13], sizes = [1], strides = [1]} : vector<16xi32> to vector<1xi32>
      %parallel_loop3A_511 = vector.extract %parallel_loop3A_510[0] : i32 from vector<1xi32>
      %parallel_loop3A_512 = arith.index_cast %parallel_loop3A_511 : i32 to index
      %parallel_loop3A_513 = tpu.vector_load %arg8[%parallel_loop3A_512] {strides = array<i32>} : memref<65536xf32, #tpu.memory_space<vmem>>, vector<16xf32>,
      %parallel_loop3A_514 = vector.broadcast %parallel_loop3A_509 : f32 to vector<16xf32>
      %parallel_loop3A_515 = arith.mulf %parallel_loop3A_514, %parallel_loop3A_513 : vector<16xf32>
      %parallel_loop3A_516 = arith.addf %parallel_loop3A_486, %parallel_loop3A_515 : vector<16xf32>
      %parallel_loop3A_517 = arith.constant 16 : i32
      %parallel_loop3A_518 = arith.addi %parallel_loop3A_511, %parallel_loop3A_517 : i32
      %parallel_loop3A_519 = arith.index_cast %parallel_loop3A_518 : i32 to index
      %parallel_loop3A_520 = tpu.vector_load %arg8[%parallel_loop3A_519] {strides = array<i32>} : memref<65536xf32, #tpu.memory_space<vmem>>, vector<16xf32>,
      %parallel_loop3A_521 = vector.broadcast %parallel_loop3A_509 : f32 to vector<16xf32>
      %parallel_loop3A_522 = arith.mulf %parallel_loop3A_521, %parallel_loop3A_520 : vector<16xf32>
      %parallel_loop3A_523 = arith.addf %parallel_loop3A_493, %parallel_loop3A_522 : vector<16xf32>
      %parallel_loop3A_524 = arith.constant 32 : i32
      %parallel_loop3A_525 = arith.addi %parallel_loop3A_511, %parallel_loop3A_524 : i32
      %parallel_loop3A_526 = arith.index_cast %parallel_loop3A_525 : i32 to index
      %parallel_loop3A_527 = tpu.vector_load %arg8[%parallel_loop3A_526] {strides = array<i32>} : memref<65536xf32, #tpu.memory_space<vmem>>, vector<16xf32>,
      %parallel_loop3A_528 = vector.broadcast %parallel_loop3A_509 : f32 to vector<16xf32>
      %parallel_loop3A_529 = arith.mulf %parallel_loop3A_528, %parallel_loop3A_527 : vector<16xf32>
      %parallel_loop3A_530 = arith.addf %parallel_loop3A_500, %parallel_loop3A_529 : vector<16xf32>
      %parallel_loop3A_531 = arith.constant 48 : i32
      %parallel_loop3A_532 = arith.addi %parallel_loop3A_511, %parallel_loop3A_531 : i32
      %parallel_loop3A_533 = arith.index_cast %parallel_loop3A_532 : i32 to index
      %parallel_loop3A_534 = tpu.vector_load %arg8[%parallel_loop3A_533] {strides = array<i32>} : memref<65536xf32, #tpu.memory_space<vmem>>, vector<16xf32>,
      %parallel_loop3A_535 = vector.broadcast %parallel_loop3A_509 : f32 to vector<16xf32>
      %parallel_loop3A_536 = arith.mulf %parallel_loop3A_535, %parallel_loop3A_534 : vector<16xf32>
      %parallel_loop3A_537 = arith.addf %parallel_loop3A_507, %parallel_loop3A_536 : vector<16xf32>
      %parallel_loop3A_538 = vector.extract_strided_slice %parallel_loop3A_102 {offsets = [14], sizes = [1], strides = [1]} : vector<16xf32> to vector<1xf32>
      %parallel_loop3A_539 = vector.extract %parallel_loop3A_538[0] : f32 from vector<1xf32>
      %parallel_loop3A_540 = vector.extract_strided_slice %parallel_loop3A_106 {offsets = [14], sizes = [1], strides = [1]} : vector<16xi32> to vector<1xi32>
      %parallel_loop3A_541 = vector.extract %parallel_loop3A_540[0] : i32 from vector<1xi32>
      %parallel_loop3A_542 = arith.index_cast %parallel_loop3A_541 : i32 to index
      %parallel_loop3A_543 = tpu.vector_load %arg8[%parallel_loop3A_542] {strides = array<i32>} : memref<65536xf32, #tpu.memory_space<vmem>>, vector<16xf32>,
      %parallel_loop3A_544 = vector.broadcast %parallel_loop3A_539 : f32 to vector<16xf32>
      %parallel_loop3A_545 = arith.mulf %parallel_loop3A_544, %parallel_loop3A_543 : vector<16xf32>
      %parallel_loop3A_546 = arith.addf %parallel_loop3A_516, %parallel_loop3A_545 : vector<16xf32>
      %parallel_loop3A_547 = arith.constant 16 : i32
      %parallel_loop3A_548 = arith.addi %parallel_loop3A_541, %parallel_loop3A_547 : i32
      %parallel_loop3A_549 = arith.index_cast %parallel_loop3A_548 : i32 to index
      %parallel_loop3A_550 = tpu.vector_load %arg8[%parallel_loop3A_549] {strides = array<i32>} : memref<65536xf32, #tpu.memory_space<vmem>>, vector<16xf32>,
      %parallel_loop3A_551 = vector.broadcast %parallel_loop3A_539 : f32 to vector<16xf32>
      %parallel_loop3A_552 = arith.mulf %parallel_loop3A_551, %parallel_loop3A_550 : vector<16xf32>
      %parallel_loop3A_553 = arith.addf %parallel_loop3A_523, %parallel_loop3A_552 : vector<16xf32>
      %parallel_loop3A_554 = arith.constant 32 : i32
      %parallel_loop3A_555 = arith.addi %parallel_loop3A_541, %parallel_loop3A_554 : i32
      %parallel_loop3A_556 = arith.index_cast %parallel_loop3A_555 : i32 to index
      %parallel_loop3A_557 = tpu.vector_load %arg8[%parallel_loop3A_556] {strides = array<i32>} : memref<65536xf32, #tpu.memory_space<vmem>>, vector<16xf32>,
      %parallel_loop3A_558 = vector.broadcast %parallel_loop3A_539 : f32 to vector<16xf32>
      %parallel_loop3A_559 = arith.mulf %parallel_loop3A_558, %parallel_loop3A_557 : vector<16xf32>
      %parallel_loop3A_560 = arith.addf %parallel_loop3A_530, %parallel_loop3A_559 : vector<16xf32>
      %parallel_loop3A_561 = arith.constant 48 : i32
      %parallel_loop3A_562 = arith.addi %parallel_loop3A_541, %parallel_loop3A_561 : i32
      %parallel_loop3A_563 = arith.index_cast %parallel_loop3A_562 : i32 to index
      %parallel_loop3A_564 = tpu.vector_load %arg8[%parallel_loop3A_563] {strides = array<i32>} : memref<65536xf32, #tpu.memory_space<vmem>>, vector<16xf32>,
      %parallel_loop3A_565 = vector.broadcast %parallel_loop3A_539 : f32 to vector<16xf32>
      %parallel_loop3A_566 = arith.mulf %parallel_loop3A_565, %parallel_loop3A_564 : vector<16xf32>
      %parallel_loop3A_567 = arith.addf %parallel_loop3A_537, %parallel_loop3A_566 : vector<16xf32>
      %parallel_loop3A_568 = vector.extract_strided_slice %parallel_loop3A_102 {offsets = [15], sizes = [1], strides = [1]} : vector<16xf32> to vector<1xf32>
      %parallel_loop3A_569 = vector.extract %parallel_loop3A_568[0] : f32 from vector<1xf32>
      %parallel_loop3A_570 = vector.extract_strided_slice %parallel_loop3A_106 {offsets = [15], sizes = [1], strides = [1]} : vector<16xi32> to vector<1xi32>
      %parallel_loop3A_571 = vector.extract %parallel_loop3A_570[0] : i32 from vector<1xi32>
      %parallel_loop3A_572 = arith.index_cast %parallel_loop3A_571 : i32 to index
      %parallel_loop3A_573 = tpu.vector_load %arg8[%parallel_loop3A_572] {strides = array<i32>} : memref<65536xf32, #tpu.memory_space<vmem>>, vector<16xf32>,
      %parallel_loop3A_574 = vector.broadcast %parallel_loop3A_569 : f32 to vector<16xf32>
      %parallel_loop3A_575 = arith.mulf %parallel_loop3A_574, %parallel_loop3A_573 : vector<16xf32>
      %parallel_loop3A_576 = arith.addf %parallel_loop3A_546, %parallel_loop3A_575 : vector<16xf32>
      %parallel_loop3A_577 = arith.constant 16 : i32
      %parallel_loop3A_578 = arith.addi %parallel_loop3A_571, %parallel_loop3A_577 : i32
      %parallel_loop3A_579 = arith.index_cast %parallel_loop3A_578 : i32 to index
      %parallel_loop3A_580 = tpu.vector_load %arg8[%parallel_loop3A_579] {strides = array<i32>} : memref<65536xf32, #tpu.memory_space<vmem>>, vector<16xf32>,
      %parallel_loop3A_581 = vector.broadcast %parallel_loop3A_569 : f32 to vector<16xf32>
      %parallel_loop3A_582 = arith.mulf %parallel_loop3A_581, %parallel_loop3A_580 : vector<16xf32>
      %parallel_loop3A_583 = arith.addf %parallel_loop3A_553, %parallel_loop3A_582 : vector<16xf32>
      %parallel_loop3A_584 = arith.constant 32 : i32
      %parallel_loop3A_585 = arith.addi %parallel_loop3A_571, %parallel_loop3A_584 : i32
      %parallel_loop3A_586 = arith.index_cast %parallel_loop3A_585 : i32 to index
      %parallel_loop3A_587 = tpu.vector_load %arg8[%parallel_loop3A_586] {strides = array<i32>} : memref<65536xf32, #tpu.memory_space<vmem>>, vector<16xf32>,
      %parallel_loop3A_588 = vector.broadcast %parallel_loop3A_569 : f32 to vector<16xf32>
      %parallel_loop3A_589 = arith.mulf %parallel_loop3A_588, %parallel_loop3A_587 : vector<16xf32>
      %parallel_loop3A_590 = arith.addf %parallel_loop3A_560, %parallel_loop3A_589 : vector<16xf32>
      %parallel_loop3A_591 = arith.constant 48 : i32
      %parallel_loop3A_592 = arith.addi %parallel_loop3A_571, %parallel_loop3A_591 : i32
      %parallel_loop3A_593 = arith.index_cast %parallel_loop3A_592 : i32 to index
      %parallel_loop3A_594 = tpu.vector_load %arg8[%parallel_loop3A_593] {strides = array<i32>} : memref<65536xf32, #tpu.memory_space<vmem>>, vector<16xf32>,
      %parallel_loop3A_595 = vector.broadcast %parallel_loop3A_569 : f32 to vector<16xf32>
      %parallel_loop3A_596 = arith.mulf %parallel_loop3A_595, %parallel_loop3A_594 : vector<16xf32>
      %parallel_loop3A_597 = arith.addf %parallel_loop3A_567, %parallel_loop3A_596 : vector<16xf32>
      %parallel_loop3A_598 = vector.extract_strided_slice %parallel_loop3A_103 {offsets = [0], sizes = [1], strides = [1]} : vector<16xf32> to vector<1xf32>
      %parallel_loop3A_599 = vector.extract %parallel_loop3A_598[0] : f32 from vector<1xf32>
      %parallel_loop3A_600 = vector.extract_strided_slice %parallel_loop3A_109 {offsets = [0], sizes = [1], strides = [1]} : vector<16xi32> to vector<1xi32>
      %parallel_loop3A_601 = vector.extract %parallel_loop3A_600[0] : i32 from vector<1xi32>
      %parallel_loop3A_602 = arith.index_cast %parallel_loop3A_601 : i32 to index
      %parallel_loop3A_603 = tpu.vector_load %arg8[%parallel_loop3A_602] {strides = array<i32>} : memref<65536xf32, #tpu.memory_space<vmem>>, vector<16xf32>,
      %parallel_loop3A_604 = vector.broadcast %parallel_loop3A_599 : f32 to vector<16xf32>
      %parallel_loop3A_605 = arith.mulf %parallel_loop3A_604, %parallel_loop3A_603 : vector<16xf32>
      %parallel_loop3A_606 = arith.addf %parallel_loop3A_576, %parallel_loop3A_605 : vector<16xf32>
      %parallel_loop3A_607 = arith.constant 16 : i32
      %parallel_loop3A_608 = arith.addi %parallel_loop3A_601, %parallel_loop3A_607 : i32
      %parallel_loop3A_609 = arith.index_cast %parallel_loop3A_608 : i32 to index
      %parallel_loop3A_610 = tpu.vector_load %arg8[%parallel_loop3A_609] {strides = array<i32>} : memref<65536xf32, #tpu.memory_space<vmem>>, vector<16xf32>,
      %parallel_loop3A_611 = vector.broadcast %parallel_loop3A_599 : f32 to vector<16xf32>
      %parallel_loop3A_612 = arith.mulf %parallel_loop3A_611, %parallel_loop3A_610 : vector<16xf32>
      %parallel_loop3A_613 = arith.addf %parallel_loop3A_583, %parallel_loop3A_612 : vector<16xf32>
      %parallel_loop3A_614 = arith.constant 32 : i32
      %parallel_loop3A_615 = arith.addi %parallel_loop3A_601, %parallel_loop3A_614 : i32
      %parallel_loop3A_616 = arith.index_cast %parallel_loop3A_615 : i32 to index
      %parallel_loop3A_617 = tpu.vector_load %arg8[%parallel_loop3A_616] {strides = array<i32>} : memref<65536xf32, #tpu.memory_space<vmem>>, vector<16xf32>,
      %parallel_loop3A_618 = vector.broadcast %parallel_loop3A_599 : f32 to vector<16xf32>
      %parallel_loop3A_619 = arith.mulf %parallel_loop3A_618, %parallel_loop3A_617 : vector<16xf32>
      %parallel_loop3A_620 = arith.addf %parallel_loop3A_590, %parallel_loop3A_619 : vector<16xf32>
      %parallel_loop3A_621 = arith.constant 48 : i32
      %parallel_loop3A_622 = arith.addi %parallel_loop3A_601, %parallel_loop3A_621 : i32
      %parallel_loop3A_623 = arith.index_cast %parallel_loop3A_622 : i32 to index
      %parallel_loop3A_624 = tpu.vector_load %arg8[%parallel_loop3A_623] {strides = array<i32>} : memref<65536xf32, #tpu.memory_space<vmem>>, vector<16xf32>,
      %parallel_loop3A_625 = vector.broadcast %parallel_loop3A_599 : f32 to vector<16xf32>
      %parallel_loop3A_626 = arith.mulf %parallel_loop3A_625, %parallel_loop3A_624 : vector<16xf32>
      %parallel_loop3A_627 = arith.addf %parallel_loop3A_597, %parallel_loop3A_626 : vector<16xf32>
      %parallel_loop3A_628 = vector.extract_strided_slice %parallel_loop3A_103 {offsets = [1], sizes = [1], strides = [1]} : vector<16xf32> to vector<1xf32>
      %parallel_loop3A_629 = vector.extract %parallel_loop3A_628[0] : f32 from vector<1xf32>
      %parallel_loop3A_630 = vector.extract_strided_slice %parallel_loop3A_109 {offsets = [1], sizes = [1], strides = [1]} : vector<16xi32> to vector<1xi32>
      %parallel_loop3A_631 = vector.extract %parallel_loop3A_630[0] : i32 from vector<1xi32>
      %parallel_loop3A_632 = arith.index_cast %parallel_loop3A_631 : i32 to index
      %parallel_loop3A_633 = tpu.vector_load %arg8[%parallel_loop3A_632] {strides = array<i32>} : memref<65536xf32, #tpu.memory_space<vmem>>, vector<16xf32>,
      %parallel_loop3A_634 = vector.broadcast %parallel_loop3A_629 : f32 to vector<16xf32>
      %parallel_loop3A_635 = arith.mulf %parallel_loop3A_634, %parallel_loop3A_633 : vector<16xf32>
      %parallel_loop3A_636 = arith.addf %parallel_loop3A_606, %parallel_loop3A_635 : vector<16xf32>
      %parallel_loop3A_637 = arith.constant 16 : i32
      %parallel_loop3A_638 = arith.addi %parallel_loop3A_631, %parallel_loop3A_637 : i32
      %parallel_loop3A_639 = arith.index_cast %parallel_loop3A_638 : i32 to index
      %parallel_loop3A_640 = tpu.vector_load %arg8[%parallel_loop3A_639] {strides = array<i32>} : memref<65536xf32, #tpu.memory_space<vmem>>, vector<16xf32>,
      %parallel_loop3A_641 = vector.broadcast %parallel_loop3A_629 : f32 to vector<16xf32>
      %parallel_loop3A_642 = arith.mulf %parallel_loop3A_641, %parallel_loop3A_640 : vector<16xf32>
      %parallel_loop3A_643 = arith.addf %parallel_loop3A_613, %parallel_loop3A_642 : vector<16xf32>
      %parallel_loop3A_644 = arith.constant 32 : i32
      %parallel_loop3A_645 = arith.addi %parallel_loop3A_631, %parallel_loop3A_644 : i32
      %parallel_loop3A_646 = arith.index_cast %parallel_loop3A_645 : i32 to index
      %parallel_loop3A_647 = tpu.vector_load %arg8[%parallel_loop3A_646] {strides = array<i32>} : memref<65536xf32, #tpu.memory_space<vmem>>, vector<16xf32>,
      %parallel_loop3A_648 = vector.broadcast %parallel_loop3A_629 : f32 to vector<16xf32>
      %parallel_loop3A_649 = arith.mulf %parallel_loop3A_648, %parallel_loop3A_647 : vector<16xf32>
      %parallel_loop3A_650 = arith.addf %parallel_loop3A_620, %parallel_loop3A_649 : vector<16xf32>
      %parallel_loop3A_651 = arith.constant 48 : i32
      %parallel_loop3A_652 = arith.addi %parallel_loop3A_631, %parallel_loop3A_651 : i32
      %parallel_loop3A_653 = arith.index_cast %parallel_loop3A_652 : i32 to index
      %parallel_loop3A_654 = tpu.vector_load %arg8[%parallel_loop3A_653] {strides = array<i32>} : memref<65536xf32, #tpu.memory_space<vmem>>, vector<16xf32>,
      %parallel_loop3A_655 = vector.broadcast %parallel_loop3A_629 : f32 to vector<16xf32>
      %parallel_loop3A_656 = arith.mulf %parallel_loop3A_655, %parallel_loop3A_654 : vector<16xf32>
      %parallel_loop3A_657 = arith.addf %parallel_loop3A_627, %parallel_loop3A_656 : vector<16xf32>
      %parallel_loop3A_658 = vector.extract_strided_slice %parallel_loop3A_103 {offsets = [2], sizes = [1], strides = [1]} : vector<16xf32> to vector<1xf32>
      %parallel_loop3A_659 = vector.extract %parallel_loop3A_658[0] : f32 from vector<1xf32>
      %parallel_loop3A_660 = vector.extract_strided_slice %parallel_loop3A_109 {offsets = [2], sizes = [1], strides = [1]} : vector<16xi32> to vector<1xi32>
      %parallel_loop3A_661 = vector.extract %parallel_loop3A_660[0] : i32 from vector<1xi32>
      %parallel_loop3A_662 = arith.index_cast %parallel_loop3A_661 : i32 to index
      %parallel_loop3A_663 = tpu.vector_load %arg8[%parallel_loop3A_662] {strides = array<i32>} : memref<65536xf32, #tpu.memory_space<vmem>>, vector<16xf32>,
      %parallel_loop3A_664 = vector.broadcast %parallel_loop3A_659 : f32 to vector<16xf32>
      %parallel_loop3A_665 = arith.mulf %parallel_loop3A_664, %parallel_loop3A_663 : vector<16xf32>
      %parallel_loop3A_666 = arith.addf %parallel_loop3A_636, %parallel_loop3A_665 : vector<16xf32>
      %parallel_loop3A_667 = arith.constant 16 : i32
      %parallel_loop3A_668 = arith.addi %parallel_loop3A_661, %parallel_loop3A_667 : i32
      %parallel_loop3A_669 = arith.index_cast %parallel_loop3A_668 : i32 to index
      %parallel_loop3A_670 = tpu.vector_load %arg8[%parallel_loop3A_669] {strides = array<i32>} : memref<65536xf32, #tpu.memory_space<vmem>>, vector<16xf32>,
      %parallel_loop3A_671 = vector.broadcast %parallel_loop3A_659 : f32 to vector<16xf32>
      %parallel_loop3A_672 = arith.mulf %parallel_loop3A_671, %parallel_loop3A_670 : vector<16xf32>
      %parallel_loop3A_673 = arith.addf %parallel_loop3A_643, %parallel_loop3A_672 : vector<16xf32>
      %parallel_loop3A_674 = arith.constant 32 : i32
      %parallel_loop3A_675 = arith.addi %parallel_loop3A_661, %parallel_loop3A_674 : i32
      %parallel_loop3A_676 = arith.index_cast %parallel_loop3A_675 : i32 to index
      %parallel_loop3A_677 = tpu.vector_load %arg8[%parallel_loop3A_676] {strides = array<i32>} : memref<65536xf32, #tpu.memory_space<vmem>>, vector<16xf32>,
      %parallel_loop3A_678 = vector.broadcast %parallel_loop3A_659 : f32 to vector<16xf32>
      %parallel_loop3A_679 = arith.mulf %parallel_loop3A_678, %parallel_loop3A_677 : vector<16xf32>
      %parallel_loop3A_680 = arith.addf %parallel_loop3A_650, %parallel_loop3A_679 : vector<16xf32>
      %parallel_loop3A_681 = arith.constant 48 : i32
      %parallel_loop3A_682 = arith.addi %parallel_loop3A_661, %parallel_loop3A_681 : i32
      %parallel_loop3A_683 = arith.index_cast %parallel_loop3A_682 : i32 to index
      %parallel_loop3A_684 = tpu.vector_load %arg8[%parallel_loop3A_683] {strides = array<i32>} : memref<65536xf32, #tpu.memory_space<vmem>>, vector<16xf32>,
      %parallel_loop3A_685 = vector.broadcast %parallel_loop3A_659 : f32 to vector<16xf32>
      %parallel_loop3A_686 = arith.mulf %parallel_loop3A_685, %parallel_loop3A_684 : vector<16xf32>
      %parallel_loop3A_687 = arith.addf %parallel_loop3A_657, %parallel_loop3A_686 : vector<16xf32>
      %parallel_loop3A_688 = vector.extract_strided_slice %parallel_loop3A_103 {offsets = [3], sizes = [1], strides = [1]} : vector<16xf32> to vector<1xf32>
      %parallel_loop3A_689 = vector.extract %parallel_loop3A_688[0] : f32 from vector<1xf32>
      %parallel_loop3A_690 = vector.extract_strided_slice %parallel_loop3A_109 {offsets = [3], sizes = [1], strides = [1]} : vector<16xi32> to vector<1xi32>
      %parallel_loop3A_691 = vector.extract %parallel_loop3A_690[0] : i32 from vector<1xi32>
      %parallel_loop3A_692 = arith.index_cast %parallel_loop3A_691 : i32 to index
      %parallel_loop3A_693 = tpu.vector_load %arg8[%parallel_loop3A_692] {strides = array<i32>} : memref<65536xf32, #tpu.memory_space<vmem>>, vector<16xf32>,
      %parallel_loop3A_694 = vector.broadcast %parallel_loop3A_689 : f32 to vector<16xf32>
      %parallel_loop3A_695 = arith.mulf %parallel_loop3A_694, %parallel_loop3A_693 : vector<16xf32>
      %parallel_loop3A_696 = arith.addf %parallel_loop3A_666, %parallel_loop3A_695 : vector<16xf32>
      %parallel_loop3A_697 = arith.constant 16 : i32
      %parallel_loop3A_698 = arith.addi %parallel_loop3A_691, %parallel_loop3A_697 : i32
      %parallel_loop3A_699 = arith.index_cast %parallel_loop3A_698 : i32 to index
      %parallel_loop3A_700 = tpu.vector_load %arg8[%parallel_loop3A_699] {strides = array<i32>} : memref<65536xf32, #tpu.memory_space<vmem>>, vector<16xf32>,
      %parallel_loop3A_701 = vector.broadcast %parallel_loop3A_689 : f32 to vector<16xf32>
      %parallel_loop3A_702 = arith.mulf %parallel_loop3A_701, %parallel_loop3A_700 : vector<16xf32>
      %parallel_loop3A_703 = arith.addf %parallel_loop3A_673, %parallel_loop3A_702 : vector<16xf32>
      %parallel_loop3A_704 = arith.constant 32 : i32
      %parallel_loop3A_705 = arith.addi %parallel_loop3A_691, %parallel_loop3A_704 : i32
      %parallel_loop3A_706 = arith.index_cast %parallel_loop3A_705 : i32 to index
      %parallel_loop3A_707 = tpu.vector_load %arg8[%parallel_loop3A_706] {strides = array<i32>} : memref<65536xf32, #tpu.memory_space<vmem>>, vector<16xf32>,
      %parallel_loop3A_708 = vector.broadcast %parallel_loop3A_689 : f32 to vector<16xf32>
      %parallel_loop3A_709 = arith.mulf %parallel_loop3A_708, %parallel_loop3A_707 : vector<16xf32>
      %parallel_loop3A_710 = arith.addf %parallel_loop3A_680, %parallel_loop3A_709 : vector<16xf32>
      %parallel_loop3A_711 = arith.constant 48 : i32
      %parallel_loop3A_712 = arith.addi %parallel_loop3A_691, %parallel_loop3A_711 : i32
      %parallel_loop3A_713 = arith.index_cast %parallel_loop3A_712 : i32 to index
      %parallel_loop3A_714 = tpu.vector_load %arg8[%parallel_loop3A_713] {strides = array<i32>} : memref<65536xf32, #tpu.memory_space<vmem>>, vector<16xf32>,
      %parallel_loop3A_715 = vector.broadcast %parallel_loop3A_689 : f32 to vector<16xf32>
      %parallel_loop3A_716 = arith.mulf %parallel_loop3A_715, %parallel_loop3A_714 : vector<16xf32>
      %parallel_loop3A_717 = arith.addf %parallel_loop3A_687, %parallel_loop3A_716 : vector<16xf32>
      %parallel_loop3A_718 = vector.extract_strided_slice %parallel_loop3A_103 {offsets = [4], sizes = [1], strides = [1]} : vector<16xf32> to vector<1xf32>
      %parallel_loop3A_719 = vector.extract %parallel_loop3A_718[0] : f32 from vector<1xf32>
      %parallel_loop3A_720 = vector.extract_strided_slice %parallel_loop3A_109 {offsets = [4], sizes = [1], strides = [1]} : vector<16xi32> to vector<1xi32>
      %parallel_loop3A_721 = vector.extract %parallel_loop3A_720[0] : i32 from vector<1xi32>
      %parallel_loop3A_722 = arith.index_cast %parallel_loop3A_721 : i32 to index
      %parallel_loop3A_723 = tpu.vector_load %arg8[%parallel_loop3A_722] {strides = array<i32>} : memref<65536xf32, #tpu.memory_space<vmem>>, vector<16xf32>,
      %parallel_loop3A_724 = vector.broadcast %parallel_loop3A_719 : f32 to vector<16xf32>
      %parallel_loop3A_725 = arith.mulf %parallel_loop3A_724, %parallel_loop3A_723 : vector<16xf32>
      %parallel_loop3A_726 = arith.addf %parallel_loop3A_696, %parallel_loop3A_725 : vector<16xf32>
      %parallel_loop3A_727 = arith.constant 16 : i32
      %parallel_loop3A_728 = arith.addi %parallel_loop3A_721, %parallel_loop3A_727 : i32
      %parallel_loop3A_729 = arith.index_cast %parallel_loop3A_728 : i32 to index
      %parallel_loop3A_730 = tpu.vector_load %arg8[%parallel_loop3A_729] {strides = array<i32>} : memref<65536xf32, #tpu.memory_space<vmem>>, vector<16xf32>,
      %parallel_loop3A_731 = vector.broadcast %parallel_loop3A_719 : f32 to vector<16xf32>
      %parallel_loop3A_732 = arith.mulf %parallel_loop3A_731, %parallel_loop3A_730 : vector<16xf32>
      %parallel_loop3A_733 = arith.addf %parallel_loop3A_703, %parallel_loop3A_732 : vector<16xf32>
      %parallel_loop3A_734 = arith.constant 32 : i32
      %parallel_loop3A_735 = arith.addi %parallel_loop3A_721, %parallel_loop3A_734 : i32
      %parallel_loop3A_736 = arith.index_cast %parallel_loop3A_735 : i32 to index
      %parallel_loop3A_737 = tpu.vector_load %arg8[%parallel_loop3A_736] {strides = array<i32>} : memref<65536xf32, #tpu.memory_space<vmem>>, vector<16xf32>,
      %parallel_loop3A_738 = vector.broadcast %parallel_loop3A_719 : f32 to vector<16xf32>
      %parallel_loop3A_739 = arith.mulf %parallel_loop3A_738, %parallel_loop3A_737 : vector<16xf32>
      %parallel_loop3A_740 = arith.addf %parallel_loop3A_710, %parallel_loop3A_739 : vector<16xf32>
      %parallel_loop3A_741 = arith.constant 48 : i32
      %parallel_loop3A_742 = arith.addi %parallel_loop3A_721, %parallel_loop3A_741 : i32
      %parallel_loop3A_743 = arith.index_cast %parallel_loop3A_742 : i32 to index
      %parallel_loop3A_744 = tpu.vector_load %arg8[%parallel_loop3A_743] {strides = array<i32>} : memref<65536xf32, #tpu.memory_space<vmem>>, vector<16xf32>,
      %parallel_loop3A_745 = vector.broadcast %parallel_loop3A_719 : f32 to vector<16xf32>
      %parallel_loop3A_746 = arith.mulf %parallel_loop3A_745, %parallel_loop3A_744 : vector<16xf32>
      %parallel_loop3A_747 = arith.addf %parallel_loop3A_717, %parallel_loop3A_746 : vector<16xf32>
      %parallel_loop3A_748 = vector.extract_strided_slice %parallel_loop3A_103 {offsets = [5], sizes = [1], strides = [1]} : vector<16xf32> to vector<1xf32>
      %parallel_loop3A_749 = vector.extract %parallel_loop3A_748[0] : f32 from vector<1xf32>
      %parallel_loop3A_750 = vector.extract_strided_slice %parallel_loop3A_109 {offsets = [5], sizes = [1], strides = [1]} : vector<16xi32> to vector<1xi32>
      %parallel_loop3A_751 = vector.extract %parallel_loop3A_750[0] : i32 from vector<1xi32>
      %parallel_loop3A_752 = arith.index_cast %parallel_loop3A_751 : i32 to index
      %parallel_loop3A_753 = tpu.vector_load %arg8[%parallel_loop3A_752] {strides = array<i32>} : memref<65536xf32, #tpu.memory_space<vmem>>, vector<16xf32>,
      %parallel_loop3A_754 = vector.broadcast %parallel_loop3A_749 : f32 to vector<16xf32>
      %parallel_loop3A_755 = arith.mulf %parallel_loop3A_754, %parallel_loop3A_753 : vector<16xf32>
      %parallel_loop3A_756 = arith.addf %parallel_loop3A_726, %parallel_loop3A_755 : vector<16xf32>
      %parallel_loop3A_757 = arith.constant 16 : i32
      %parallel_loop3A_758 = arith.addi %parallel_loop3A_751, %parallel_loop3A_757 : i32
      %parallel_loop3A_759 = arith.index_cast %parallel_loop3A_758 : i32 to index
      %parallel_loop3A_760 = tpu.vector_load %arg8[%parallel_loop3A_759] {strides = array<i32>} : memref<65536xf32, #tpu.memory_space<vmem>>, vector<16xf32>,
      %parallel_loop3A_761 = vector.broadcast %parallel_loop3A_749 : f32 to vector<16xf32>
      %parallel_loop3A_762 = arith.mulf %parallel_loop3A_761, %parallel_loop3A_760 : vector<16xf32>
      %parallel_loop3A_763 = arith.addf %parallel_loop3A_733, %parallel_loop3A_762 : vector<16xf32>
      %parallel_loop3A_764 = arith.constant 32 : i32
      %parallel_loop3A_765 = arith.addi %parallel_loop3A_751, %parallel_loop3A_764 : i32
      %parallel_loop3A_766 = arith.index_cast %parallel_loop3A_765 : i32 to index
      %parallel_loop3A_767 = tpu.vector_load %arg8[%parallel_loop3A_766] {strides = array<i32>} : memref<65536xf32, #tpu.memory_space<vmem>>, vector<16xf32>,
      %parallel_loop3A_768 = vector.broadcast %parallel_loop3A_749 : f32 to vector<16xf32>
      %parallel_loop3A_769 = arith.mulf %parallel_loop3A_768, %parallel_loop3A_767 : vector<16xf32>
      %parallel_loop3A_770 = arith.addf %parallel_loop3A_740, %parallel_loop3A_769 : vector<16xf32>
      %parallel_loop3A_771 = arith.constant 48 : i32
      %parallel_loop3A_772 = arith.addi %parallel_loop3A_751, %parallel_loop3A_771 : i32
      %parallel_loop3A_773 = arith.index_cast %parallel_loop3A_772 : i32 to index
      %parallel_loop3A_774 = tpu.vector_load %arg8[%parallel_loop3A_773] {strides = array<i32>} : memref<65536xf32, #tpu.memory_space<vmem>>, vector<16xf32>,
      %parallel_loop3A_775 = vector.broadcast %parallel_loop3A_749 : f32 to vector<16xf32>
      %parallel_loop3A_776 = arith.mulf %parallel_loop3A_775, %parallel_loop3A_774 : vector<16xf32>
      %parallel_loop3A_777 = arith.addf %parallel_loop3A_747, %parallel_loop3A_776 : vector<16xf32>
      %parallel_loop3A_778 = vector.extract_strided_slice %parallel_loop3A_103 {offsets = [6], sizes = [1], strides = [1]} : vector<16xf32> to vector<1xf32>
      %parallel_loop3A_779 = vector.extract %parallel_loop3A_778[0] : f32 from vector<1xf32>
      %parallel_loop3A_780 = vector.extract_strided_slice %parallel_loop3A_109 {offsets = [6], sizes = [1], strides = [1]} : vector<16xi32> to vector<1xi32>
      %parallel_loop3A_781 = vector.extract %parallel_loop3A_780[0] : i32 from vector<1xi32>
      %parallel_loop3A_782 = arith.index_cast %parallel_loop3A_781 : i32 to index
      %parallel_loop3A_783 = tpu.vector_load %arg8[%parallel_loop3A_782] {strides = array<i32>} : memref<65536xf32, #tpu.memory_space<vmem>>, vector<16xf32>,
      %parallel_loop3A_784 = vector.broadcast %parallel_loop3A_779 : f32 to vector<16xf32>
      %parallel_loop3A_785 = arith.mulf %parallel_loop3A_784, %parallel_loop3A_783 : vector<16xf32>
      %parallel_loop3A_786 = arith.addf %parallel_loop3A_756, %parallel_loop3A_785 : vector<16xf32>
      %parallel_loop3A_787 = arith.constant 16 : i32
      %parallel_loop3A_788 = arith.addi %parallel_loop3A_781, %parallel_loop3A_787 : i32
      %parallel_loop3A_789 = arith.index_cast %parallel_loop3A_788 : i32 to index
      %parallel_loop3A_790 = tpu.vector_load %arg8[%parallel_loop3A_789] {strides = array<i32>} : memref<65536xf32, #tpu.memory_space<vmem>>, vector<16xf32>,
      %parallel_loop3A_791 = vector.broadcast %parallel_loop3A_779 : f32 to vector<16xf32>
      %parallel_loop3A_792 = arith.mulf %parallel_loop3A_791, %parallel_loop3A_790 : vector<16xf32>
      %parallel_loop3A_793 = arith.addf %parallel_loop3A_763, %parallel_loop3A_792 : vector<16xf32>
      %parallel_loop3A_794 = arith.constant 32 : i32
      %parallel_loop3A_795 = arith.addi %parallel_loop3A_781, %parallel_loop3A_794 : i32
      %parallel_loop3A_796 = arith.index_cast %parallel_loop3A_795 : i32 to index
      %parallel_loop3A_797 = tpu.vector_load %arg8[%parallel_loop3A_796] {strides = array<i32>} : memref<65536xf32, #tpu.memory_space<vmem>>, vector<16xf32>,
      %parallel_loop3A_798 = vector.broadcast %parallel_loop3A_779 : f32 to vector<16xf32>
      %parallel_loop3A_799 = arith.mulf %parallel_loop3A_798, %parallel_loop3A_797 : vector<16xf32>
      %parallel_loop3A_800 = arith.addf %parallel_loop3A_770, %parallel_loop3A_799 : vector<16xf32>
      %parallel_loop3A_801 = arith.constant 48 : i32
      %parallel_loop3A_802 = arith.addi %parallel_loop3A_781, %parallel_loop3A_801 : i32
      %parallel_loop3A_803 = arith.index_cast %parallel_loop3A_802 : i32 to index
      %parallel_loop3A_804 = tpu.vector_load %arg8[%parallel_loop3A_803] {strides = array<i32>} : memref<65536xf32, #tpu.memory_space<vmem>>, vector<16xf32>,
      %parallel_loop3A_805 = vector.broadcast %parallel_loop3A_779 : f32 to vector<16xf32>
      %parallel_loop3A_806 = arith.mulf %parallel_loop3A_805, %parallel_loop3A_804 : vector<16xf32>
      %parallel_loop3A_807 = arith.addf %parallel_loop3A_777, %parallel_loop3A_806 : vector<16xf32>
      %parallel_loop3A_808 = vector.extract_strided_slice %parallel_loop3A_103 {offsets = [7], sizes = [1], strides = [1]} : vector<16xf32> to vector<1xf32>
      %parallel_loop3A_809 = vector.extract %parallel_loop3A_808[0] : f32 from vector<1xf32>
      %parallel_loop3A_810 = vector.extract_strided_slice %parallel_loop3A_109 {offsets = [7], sizes = [1], strides = [1]} : vector<16xi32> to vector<1xi32>
      %parallel_loop3A_811 = vector.extract %parallel_loop3A_810[0] : i32 from vector<1xi32>
      %parallel_loop3A_812 = arith.index_cast %parallel_loop3A_811 : i32 to index
      %parallel_loop3A_813 = tpu.vector_load %arg8[%parallel_loop3A_812] {strides = array<i32>} : memref<65536xf32, #tpu.memory_space<vmem>>, vector<16xf32>,
      %parallel_loop3A_814 = vector.broadcast %parallel_loop3A_809 : f32 to vector<16xf32>
      %parallel_loop3A_815 = arith.mulf %parallel_loop3A_814, %parallel_loop3A_813 : vector<16xf32>
      %parallel_loop3A_816 = arith.addf %parallel_loop3A_786, %parallel_loop3A_815 : vector<16xf32>
      %parallel_loop3A_817 = arith.constant 16 : i32
      %parallel_loop3A_818 = arith.addi %parallel_loop3A_811, %parallel_loop3A_817 : i32
      %parallel_loop3A_819 = arith.index_cast %parallel_loop3A_818 : i32 to index
      %parallel_loop3A_820 = tpu.vector_load %arg8[%parallel_loop3A_819] {strides = array<i32>} : memref<65536xf32, #tpu.memory_space<vmem>>, vector<16xf32>,
      %parallel_loop3A_821 = vector.broadcast %parallel_loop3A_809 : f32 to vector<16xf32>
      %parallel_loop3A_822 = arith.mulf %parallel_loop3A_821, %parallel_loop3A_820 : vector<16xf32>
      %parallel_loop3A_823 = arith.addf %parallel_loop3A_793, %parallel_loop3A_822 : vector<16xf32>
      %parallel_loop3A_824 = arith.constant 32 : i32
      %parallel_loop3A_825 = arith.addi %parallel_loop3A_811, %parallel_loop3A_824 : i32
      %parallel_loop3A_826 = arith.index_cast %parallel_loop3A_825 : i32 to index
      %parallel_loop3A_827 = tpu.vector_load %arg8[%parallel_loop3A_826] {strides = array<i32>} : memref<65536xf32, #tpu.memory_space<vmem>>, vector<16xf32>,
      %parallel_loop3A_828 = vector.broadcast %parallel_loop3A_809 : f32 to vector<16xf32>
      %parallel_loop3A_829 = arith.mulf %parallel_loop3A_828, %parallel_loop3A_827 : vector<16xf32>
      %parallel_loop3A_830 = arith.addf %parallel_loop3A_800, %parallel_loop3A_829 : vector<16xf32>
      %parallel_loop3A_831 = arith.constant 48 : i32
      %parallel_loop3A_832 = arith.addi %parallel_loop3A_811, %parallel_loop3A_831 : i32
      %parallel_loop3A_833 = arith.index_cast %parallel_loop3A_832 : i32 to index
      %parallel_loop3A_834 = tpu.vector_load %arg8[%parallel_loop3A_833] {strides = array<i32>} : memref<65536xf32, #tpu.memory_space<vmem>>, vector<16xf32>,
      %parallel_loop3A_835 = vector.broadcast %parallel_loop3A_809 : f32 to vector<16xf32>
      %parallel_loop3A_836 = arith.mulf %parallel_loop3A_835, %parallel_loop3A_834 : vector<16xf32>
      %parallel_loop3A_837 = arith.addf %parallel_loop3A_807, %parallel_loop3A_836 : vector<16xf32>
      %parallel_loop3A_838 = vector.extract_strided_slice %parallel_loop3A_103 {offsets = [8], sizes = [1], strides = [1]} : vector<16xf32> to vector<1xf32>
      %parallel_loop3A_839 = vector.extract %parallel_loop3A_838[0] : f32 from vector<1xf32>
      %parallel_loop3A_840 = vector.extract_strided_slice %parallel_loop3A_109 {offsets = [8], sizes = [1], strides = [1]} : vector<16xi32> to vector<1xi32>
      %parallel_loop3A_841 = vector.extract %parallel_loop3A_840[0] : i32 from vector<1xi32>
      %parallel_loop3A_842 = arith.index_cast %parallel_loop3A_841 : i32 to index
      %parallel_loop3A_843 = tpu.vector_load %arg8[%parallel_loop3A_842] {strides = array<i32>} : memref<65536xf32, #tpu.memory_space<vmem>>, vector<16xf32>,
      %parallel_loop3A_844 = vector.broadcast %parallel_loop3A_839 : f32 to vector<16xf32>
      %parallel_loop3A_845 = arith.mulf %parallel_loop3A_844, %parallel_loop3A_843 : vector<16xf32>
      %parallel_loop3A_846 = arith.addf %parallel_loop3A_816, %parallel_loop3A_845 : vector<16xf32>
      %parallel_loop3A_847 = arith.constant 16 : i32
      %parallel_loop3A_848 = arith.addi %parallel_loop3A_841, %parallel_loop3A_847 : i32
      %parallel_loop3A_849 = arith.index_cast %parallel_loop3A_848 : i32 to index
      %parallel_loop3A_850 = tpu.vector_load %arg8[%parallel_loop3A_849] {strides = array<i32>} : memref<65536xf32, #tpu.memory_space<vmem>>, vector<16xf32>,
      %parallel_loop3A_851 = vector.broadcast %parallel_loop3A_839 : f32 to vector<16xf32>
      %parallel_loop3A_852 = arith.mulf %parallel_loop3A_851, %parallel_loop3A_850 : vector<16xf32>
      %parallel_loop3A_853 = arith.addf %parallel_loop3A_823, %parallel_loop3A_852 : vector<16xf32>
      %parallel_loop3A_854 = arith.constant 32 : i32
      %parallel_loop3A_855 = arith.addi %parallel_loop3A_841, %parallel_loop3A_854 : i32
      %parallel_loop3A_856 = arith.index_cast %parallel_loop3A_855 : i32 to index
      %parallel_loop3A_857 = tpu.vector_load %arg8[%parallel_loop3A_856] {strides = array<i32>} : memref<65536xf32, #tpu.memory_space<vmem>>, vector<16xf32>,
      %parallel_loop3A_858 = vector.broadcast %parallel_loop3A_839 : f32 to vector<16xf32>
      %parallel_loop3A_859 = arith.mulf %parallel_loop3A_858, %parallel_loop3A_857 : vector<16xf32>
      %parallel_loop3A_860 = arith.addf %parallel_loop3A_830, %parallel_loop3A_859 : vector<16xf32>
      %parallel_loop3A_861 = arith.constant 48 : i32
      %parallel_loop3A_862 = arith.addi %parallel_loop3A_841, %parallel_loop3A_861 : i32
      %parallel_loop3A_863 = arith.index_cast %parallel_loop3A_862 : i32 to index
      %parallel_loop3A_864 = tpu.vector_load %arg8[%parallel_loop3A_863] {strides = array<i32>} : memref<65536xf32, #tpu.memory_space<vmem>>, vector<16xf32>,
      %parallel_loop3A_865 = vector.broadcast %parallel_loop3A_839 : f32 to vector<16xf32>
      %parallel_loop3A_866 = arith.mulf %parallel_loop3A_865, %parallel_loop3A_864 : vector<16xf32>
      %parallel_loop3A_867 = arith.addf %parallel_loop3A_837, %parallel_loop3A_866 : vector<16xf32>
      %parallel_loop3A_868 = vector.extract_strided_slice %parallel_loop3A_103 {offsets = [9], sizes = [1], strides = [1]} : vector<16xf32> to vector<1xf32>
      %parallel_loop3A_869 = vector.extract %parallel_loop3A_868[0] : f32 from vector<1xf32>
      %parallel_loop3A_870 = vector.extract_strided_slice %parallel_loop3A_109 {offsets = [9], sizes = [1], strides = [1]} : vector<16xi32> to vector<1xi32>
      %parallel_loop3A_871 = vector.extract %parallel_loop3A_870[0] : i32 from vector<1xi32>
      %parallel_loop3A_872 = arith.index_cast %parallel_loop3A_871 : i32 to index
      %parallel_loop3A_873 = tpu.vector_load %arg8[%parallel_loop3A_872] {strides = array<i32>} : memref<65536xf32, #tpu.memory_space<vmem>>, vector<16xf32>,
      %parallel_loop3A_874 = vector.broadcast %parallel_loop3A_869 : f32 to vector<16xf32>
      %parallel_loop3A_875 = arith.mulf %parallel_loop3A_874, %parallel_loop3A_873 : vector<16xf32>
      %parallel_loop3A_876 = arith.addf %parallel_loop3A_846, %parallel_loop3A_875 : vector<16xf32>
      %parallel_loop3A_877 = arith.constant 16 : i32
      %parallel_loop3A_878 = arith.addi %parallel_loop3A_871, %parallel_loop3A_877 : i32
      %parallel_loop3A_879 = arith.index_cast %parallel_loop3A_878 : i32 to index
      %parallel_loop3A_880 = tpu.vector_load %arg8[%parallel_loop3A_879] {strides = array<i32>} : memref<65536xf32, #tpu.memory_space<vmem>>, vector<16xf32>,
      %parallel_loop3A_881 = vector.broadcast %parallel_loop3A_869 : f32 to vector<16xf32>
      %parallel_loop3A_882 = arith.mulf %parallel_loop3A_881, %parallel_loop3A_880 : vector<16xf32>
      %parallel_loop3A_883 = arith.addf %parallel_loop3A_853, %parallel_loop3A_882 : vector<16xf32>
      %parallel_loop3A_884 = arith.constant 32 : i32
      %parallel_loop3A_885 = arith.addi %parallel_loop3A_871, %parallel_loop3A_884 : i32
      %parallel_loop3A_886 = arith.index_cast %parallel_loop3A_885 : i32 to index
      %parallel_loop3A_887 = tpu.vector_load %arg8[%parallel_loop3A_886] {strides = array<i32>} : memref<65536xf32, #tpu.memory_space<vmem>>, vector<16xf32>,
      %parallel_loop3A_888 = vector.broadcast %parallel_loop3A_869 : f32 to vector<16xf32>
      %parallel_loop3A_889 = arith.mulf %parallel_loop3A_888, %parallel_loop3A_887 : vector<16xf32>
      %parallel_loop3A_890 = arith.addf %parallel_loop3A_860, %parallel_loop3A_889 : vector<16xf32>
      %parallel_loop3A_891 = arith.constant 48 : i32
      %parallel_loop3A_892 = arith.addi %parallel_loop3A_871, %parallel_loop3A_891 : i32
      %parallel_loop3A_893 = arith.index_cast %parallel_loop3A_892 : i32 to index
      %parallel_loop3A_894 = tpu.vector_load %arg8[%parallel_loop3A_893] {strides = array<i32>} : memref<65536xf32, #tpu.memory_space<vmem>>, vector<16xf32>,
      %parallel_loop3A_895 = vector.broadcast %parallel_loop3A_869 : f32 to vector<16xf32>
      %parallel_loop3A_896 = arith.mulf %parallel_loop3A_895, %parallel_loop3A_894 : vector<16xf32>
      %parallel_loop3A_897 = arith.addf %parallel_loop3A_867, %parallel_loop3A_896 : vector<16xf32>
      %parallel_loop3A_898 = vector.extract_strided_slice %parallel_loop3A_103 {offsets = [10], sizes = [1], strides = [1]} : vector<16xf32> to vector<1xf32>
      %parallel_loop3A_899 = vector.extract %parallel_loop3A_898[0] : f32 from vector<1xf32>
      %parallel_loop3A_900 = vector.extract_strided_slice %parallel_loop3A_109 {offsets = [10], sizes = [1], strides = [1]} : vector<16xi32> to vector<1xi32>
      %parallel_loop3A_901 = vector.extract %parallel_loop3A_900[0] : i32 from vector<1xi32>
      %parallel_loop3A_902 = arith.index_cast %parallel_loop3A_901 : i32 to index
      %parallel_loop3A_903 = tpu.vector_load %arg8[%parallel_loop3A_902] {strides = array<i32>} : memref<65536xf32, #tpu.memory_space<vmem>>, vector<16xf32>,
      %parallel_loop3A_904 = vector.broadcast %parallel_loop3A_899 : f32 to vector<16xf32>
      %parallel_loop3A_905 = arith.mulf %parallel_loop3A_904, %parallel_loop3A_903 : vector<16xf32>
      %parallel_loop3A_906 = arith.addf %parallel_loop3A_876, %parallel_loop3A_905 : vector<16xf32>
      %parallel_loop3A_907 = arith.constant 16 : i32
      %parallel_loop3A_908 = arith.addi %parallel_loop3A_901, %parallel_loop3A_907 : i32
      %parallel_loop3A_909 = arith.index_cast %parallel_loop3A_908 : i32 to index
      %parallel_loop3A_910 = tpu.vector_load %arg8[%parallel_loop3A_909] {strides = array<i32>} : memref<65536xf32, #tpu.memory_space<vmem>>, vector<16xf32>,
      %parallel_loop3A_911 = vector.broadcast %parallel_loop3A_899 : f32 to vector<16xf32>
      %parallel_loop3A_912 = arith.mulf %parallel_loop3A_911, %parallel_loop3A_910 : vector<16xf32>
      %parallel_loop3A_913 = arith.addf %parallel_loop3A_883, %parallel_loop3A_912 : vector<16xf32>
      %parallel_loop3A_914 = arith.constant 32 : i32
      %parallel_loop3A_915 = arith.addi %parallel_loop3A_901, %parallel_loop3A_914 : i32
      %parallel_loop3A_916 = arith.index_cast %parallel_loop3A_915 : i32 to index
      %parallel_loop3A_917 = tpu.vector_load %arg8[%parallel_loop3A_916] {strides = array<i32>} : memref<65536xf32, #tpu.memory_space<vmem>>, vector<16xf32>,
      %parallel_loop3A_918 = vector.broadcast %parallel_loop3A_899 : f32 to vector<16xf32>
      %parallel_loop3A_919 = arith.mulf %parallel_loop3A_918, %parallel_loop3A_917 : vector<16xf32>
      %parallel_loop3A_920 = arith.addf %parallel_loop3A_890, %parallel_loop3A_919 : vector<16xf32>
      %parallel_loop3A_921 = arith.constant 48 : i32
      %parallel_loop3A_922 = arith.addi %parallel_loop3A_901, %parallel_loop3A_921 : i32
      %parallel_loop3A_923 = arith.index_cast %parallel_loop3A_922 : i32 to index
      %parallel_loop3A_924 = tpu.vector_load %arg8[%parallel_loop3A_923] {strides = array<i32>} : memref<65536xf32, #tpu.memory_space<vmem>>, vector<16xf32>,
      %parallel_loop3A_925 = vector.broadcast %parallel_loop3A_899 : f32 to vector<16xf32>
      %parallel_loop3A_926 = arith.mulf %parallel_loop3A_925, %parallel_loop3A_924 : vector<16xf32>
      %parallel_loop3A_927 = arith.addf %parallel_loop3A_897, %parallel_loop3A_926 : vector<16xf32>
      %parallel_loop3A_928 = vector.extract_strided_slice %parallel_loop3A_103 {offsets = [11], sizes = [1], strides = [1]} : vector<16xf32> to vector<1xf32>
      %parallel_loop3A_929 = vector.extract %parallel_loop3A_928[0] : f32 from vector<1xf32>
      %parallel_loop3A_930 = vector.extract_strided_slice %parallel_loop3A_109 {offsets = [11], sizes = [1], strides = [1]} : vector<16xi32> to vector<1xi32>
      %parallel_loop3A_931 = vector.extract %parallel_loop3A_930[0] : i32 from vector<1xi32>
      %parallel_loop3A_932 = arith.index_cast %parallel_loop3A_931 : i32 to index
      %parallel_loop3A_933 = tpu.vector_load %arg8[%parallel_loop3A_932] {strides = array<i32>} : memref<65536xf32, #tpu.memory_space<vmem>>, vector<16xf32>,
      %parallel_loop3A_934 = vector.broadcast %parallel_loop3A_929 : f32 to vector<16xf32>
      %parallel_loop3A_935 = arith.mulf %parallel_loop3A_934, %parallel_loop3A_933 : vector<16xf32>
      %parallel_loop3A_936 = arith.addf %parallel_loop3A_906, %parallel_loop3A_935 : vector<16xf32>
      %parallel_loop3A_937 = arith.constant 16 : i32
      %parallel_loop3A_938 = arith.addi %parallel_loop3A_931, %parallel_loop3A_937 : i32
      %parallel_loop3A_939 = arith.index_cast %parallel_loop3A_938 : i32 to index
      %parallel_loop3A_940 = tpu.vector_load %arg8[%parallel_loop3A_939] {strides = array<i32>} : memref<65536xf32, #tpu.memory_space<vmem>>, vector<16xf32>,
      %parallel_loop3A_941 = vector.broadcast %parallel_loop3A_929 : f32 to vector<16xf32>
      %parallel_loop3A_942 = arith.mulf %parallel_loop3A_941, %parallel_loop3A_940 : vector<16xf32>
      %parallel_loop3A_943 = arith.addf %parallel_loop3A_913, %parallel_loop3A_942 : vector<16xf32>
      %parallel_loop3A_944 = arith.constant 32 : i32
      %parallel_loop3A_945 = arith.addi %parallel_loop3A_931, %parallel_loop3A_944 : i32
      %parallel_loop3A_946 = arith.index_cast %parallel_loop3A_945 : i32 to index
      %parallel_loop3A_947 = tpu.vector_load %arg8[%parallel_loop3A_946] {strides = array<i32>} : memref<65536xf32, #tpu.memory_space<vmem>>, vector<16xf32>,
      %parallel_loop3A_948 = vector.broadcast %parallel_loop3A_929 : f32 to vector<16xf32>
      %parallel_loop3A_949 = arith.mulf %parallel_loop3A_948, %parallel_loop3A_947 : vector<16xf32>
      %parallel_loop3A_950 = arith.addf %parallel_loop3A_920, %parallel_loop3A_949 : vector<16xf32>
      %parallel_loop3A_951 = arith.constant 48 : i32
      %parallel_loop3A_952 = arith.addi %parallel_loop3A_931, %parallel_loop3A_951 : i32
      %parallel_loop3A_953 = arith.index_cast %parallel_loop3A_952 : i32 to index
      %parallel_loop3A_954 = tpu.vector_load %arg8[%parallel_loop3A_953] {strides = array<i32>} : memref<65536xf32, #tpu.memory_space<vmem>>, vector<16xf32>,
      %parallel_loop3A_955 = vector.broadcast %parallel_loop3A_929 : f32 to vector<16xf32>
      %parallel_loop3A_956 = arith.mulf %parallel_loop3A_955, %parallel_loop3A_954 : vector<16xf32>
      %parallel_loop3A_957 = arith.addf %parallel_loop3A_927, %parallel_loop3A_956 : vector<16xf32>
      %parallel_loop3A_958 = vector.extract_strided_slice %parallel_loop3A_103 {offsets = [12], sizes = [1], strides = [1]} : vector<16xf32> to vector<1xf32>
      %parallel_loop3A_959 = vector.extract %parallel_loop3A_958[0] : f32 from vector<1xf32>
      %parallel_loop3A_960 = vector.extract_strided_slice %parallel_loop3A_109 {offsets = [12], sizes = [1], strides = [1]} : vector<16xi32> to vector<1xi32>
      %parallel_loop3A_961 = vector.extract %parallel_loop3A_960[0] : i32 from vector<1xi32>
      %parallel_loop3A_962 = arith.index_cast %parallel_loop3A_961 : i32 to index
      %parallel_loop3A_963 = tpu.vector_load %arg8[%parallel_loop3A_962] {strides = array<i32>} : memref<65536xf32, #tpu.memory_space<vmem>>, vector<16xf32>,
      %parallel_loop3A_964 = vector.broadcast %parallel_loop3A_959 : f32 to vector<16xf32>
      %parallel_loop3A_965 = arith.mulf %parallel_loop3A_964, %parallel_loop3A_963 : vector<16xf32>
      %parallel_loop3A_966 = arith.addf %parallel_loop3A_936, %parallel_loop3A_965 : vector<16xf32>
      %parallel_loop3A_967 = arith.constant 16 : i32
      %parallel_loop3A_968 = arith.addi %parallel_loop3A_961, %parallel_loop3A_967 : i32
      %parallel_loop3A_969 = arith.index_cast %parallel_loop3A_968 : i32 to index
      %parallel_loop3A_970 = tpu.vector_load %arg8[%parallel_loop3A_969] {strides = array<i32>} : memref<65536xf32, #tpu.memory_space<vmem>>, vector<16xf32>,
      %parallel_loop3A_971 = vector.broadcast %parallel_loop3A_959 : f32 to vector<16xf32>
      %parallel_loop3A_972 = arith.mulf %parallel_loop3A_971, %parallel_loop3A_970 : vector<16xf32>
      %parallel_loop3A_973 = arith.addf %parallel_loop3A_943, %parallel_loop3A_972 : vector<16xf32>
      %parallel_loop3A_974 = arith.constant 32 : i32
      %parallel_loop3A_975 = arith.addi %parallel_loop3A_961, %parallel_loop3A_974 : i32
      %parallel_loop3A_976 = arith.index_cast %parallel_loop3A_975 : i32 to index
      %parallel_loop3A_977 = tpu.vector_load %arg8[%parallel_loop3A_976] {strides = array<i32>} : memref<65536xf32, #tpu.memory_space<vmem>>, vector<16xf32>,
      %parallel_loop3A_978 = vector.broadcast %parallel_loop3A_959 : f32 to vector<16xf32>
      %parallel_loop3A_979 = arith.mulf %parallel_loop3A_978, %parallel_loop3A_977 : vector<16xf32>
      %parallel_loop3A_980 = arith.addf %parallel_loop3A_950, %parallel_loop3A_979 : vector<16xf32>
      %parallel_loop3A_981 = arith.constant 48 : i32
      %parallel_loop3A_982 = arith.addi %parallel_loop3A_961, %parallel_loop3A_981 : i32
      %parallel_loop3A_983 = arith.index_cast %parallel_loop3A_982 : i32 to index
      %parallel_loop3A_984 = tpu.vector_load %arg8[%parallel_loop3A_983] {strides = array<i32>} : memref<65536xf32, #tpu.memory_space<vmem>>, vector<16xf32>,
      %parallel_loop3A_985 = vector.broadcast %parallel_loop3A_959 : f32 to vector<16xf32>
      %parallel_loop3A_986 = arith.mulf %parallel_loop3A_985, %parallel_loop3A_984 : vector<16xf32>
      %parallel_loop3A_987 = arith.addf %parallel_loop3A_957, %parallel_loop3A_986 : vector<16xf32>
      %parallel_loop3A_988 = vector.extract_strided_slice %parallel_loop3A_103 {offsets = [13], sizes = [1], strides = [1]} : vector<16xf32> to vector<1xf32>
      %parallel_loop3A_989 = vector.extract %parallel_loop3A_988[0] : f32 from vector<1xf32>
      %parallel_loop3A_990 = vector.extract_strided_slice %parallel_loop3A_109 {offsets = [13], sizes = [1], strides = [1]} : vector<16xi32> to vector<1xi32>
      %parallel_loop3A_991 = vector.extract %parallel_loop3A_990[0] : i32 from vector<1xi32>
      %parallel_loop3A_992 = arith.index_cast %parallel_loop3A_991 : i32 to index
      %parallel_loop3A_993 = tpu.vector_load %arg8[%parallel_loop3A_992] {strides = array<i32>} : memref<65536xf32, #tpu.memory_space<vmem>>, vector<16xf32>,
      %parallel_loop3A_994 = vector.broadcast %parallel_loop3A_989 : f32 to vector<16xf32>
      %parallel_loop3A_995 = arith.mulf %parallel_loop3A_994, %parallel_loop3A_993 : vector<16xf32>
      %parallel_loop3A_996 = arith.addf %parallel_loop3A_966, %parallel_loop3A_995 : vector<16xf32>
      %parallel_loop3A_997 = arith.constant 16 : i32
      %parallel_loop3A_998 = arith.addi %parallel_loop3A_991, %parallel_loop3A_997 : i32
      %parallel_loop3A_999 = arith.index_cast %parallel_loop3A_998 : i32 to index
      %parallel_loop3A_1000 = tpu.vector_load %arg8[%parallel_loop3A_999] {strides = array<i32>} : memref<65536xf32, #tpu.memory_space<vmem>>, vector<16xf32>,
      %parallel_loop3A_1001 = vector.broadcast %parallel_loop3A_989 : f32 to vector<16xf32>
      %parallel_loop3A_1002 = arith.mulf %parallel_loop3A_1001, %parallel_loop3A_1000 : vector<16xf32>
      %parallel_loop3A_1003 = arith.addf %parallel_loop3A_973, %parallel_loop3A_1002 : vector<16xf32>
      %parallel_loop3A_1004 = arith.constant 32 : i32
      %parallel_loop3A_1005 = arith.addi %parallel_loop3A_991, %parallel_loop3A_1004 : i32
      %parallel_loop3A_1006 = arith.index_cast %parallel_loop3A_1005 : i32 to index
      %parallel_loop3A_1007 = tpu.vector_load %arg8[%parallel_loop3A_1006] {strides = array<i32>} : memref<65536xf32, #tpu.memory_space<vmem>>, vector<16xf32>,
      %parallel_loop3A_1008 = vector.broadcast %parallel_loop3A_989 : f32 to vector<16xf32>
      %parallel_loop3A_1009 = arith.mulf %parallel_loop3A_1008, %parallel_loop3A_1007 : vector<16xf32>
      %parallel_loop3A_1010 = arith.addf %parallel_loop3A_980, %parallel_loop3A_1009 : vector<16xf32>
      %parallel_loop3A_1011 = arith.constant 48 : i32
      %parallel_loop3A_1012 = arith.addi %parallel_loop3A_991, %parallel_loop3A_1011 : i32
      %parallel_loop3A_1013 = arith.index_cast %parallel_loop3A_1012 : i32 to index
      %parallel_loop3A_1014 = tpu.vector_load %arg8[%parallel_loop3A_1013] {strides = array<i32>} : memref<65536xf32, #tpu.memory_space<vmem>>, vector<16xf32>,
      %parallel_loop3A_1015 = vector.broadcast %parallel_loop3A_989 : f32 to vector<16xf32>
      %parallel_loop3A_1016 = arith.mulf %parallel_loop3A_1015, %parallel_loop3A_1014 : vector<16xf32>
      %parallel_loop3A_1017 = arith.addf %parallel_loop3A_987, %parallel_loop3A_1016 : vector<16xf32>
      %parallel_loop3A_1018 = vector.extract_strided_slice %parallel_loop3A_103 {offsets = [14], sizes = [1], strides = [1]} : vector<16xf32> to vector<1xf32>
      %parallel_loop3A_1019 = vector.extract %parallel_loop3A_1018[0] : f32 from vector<1xf32>
      %parallel_loop3A_1020 = vector.extract_strided_slice %parallel_loop3A_109 {offsets = [14], sizes = [1], strides = [1]} : vector<16xi32> to vector<1xi32>
      %parallel_loop3A_1021 = vector.extract %parallel_loop3A_1020[0] : i32 from vector<1xi32>
      %parallel_loop3A_1022 = arith.index_cast %parallel_loop3A_1021 : i32 to index
      %parallel_loop3A_1023 = tpu.vector_load %arg8[%parallel_loop3A_1022] {strides = array<i32>} : memref<65536xf32, #tpu.memory_space<vmem>>, vector<16xf32>,
      %parallel_loop3A_1024 = vector.broadcast %parallel_loop3A_1019 : f32 to vector<16xf32>
      %parallel_loop3A_1025 = arith.mulf %parallel_loop3A_1024, %parallel_loop3A_1023 : vector<16xf32>
      %parallel_loop3A_1026 = arith.addf %parallel_loop3A_996, %parallel_loop3A_1025 : vector<16xf32>
      %parallel_loop3A_1027 = arith.constant 16 : i32
      %parallel_loop3A_1028 = arith.addi %parallel_loop3A_1021, %parallel_loop3A_1027 : i32
      %parallel_loop3A_1029 = arith.index_cast %parallel_loop3A_1028 : i32 to index
      %parallel_loop3A_1030 = tpu.vector_load %arg8[%parallel_loop3A_1029] {strides = array<i32>} : memref<65536xf32, #tpu.memory_space<vmem>>, vector<16xf32>,
      %parallel_loop3A_1031 = vector.broadcast %parallel_loop3A_1019 : f32 to vector<16xf32>
      %parallel_loop3A_1032 = arith.mulf %parallel_loop3A_1031, %parallel_loop3A_1030 : vector<16xf32>
      %parallel_loop3A_1033 = arith.addf %parallel_loop3A_1003, %parallel_loop3A_1032 : vector<16xf32>
      %parallel_loop3A_1034 = arith.constant 32 : i32
      %parallel_loop3A_1035 = arith.addi %parallel_loop3A_1021, %parallel_loop3A_1034 : i32
      %parallel_loop3A_1036 = arith.index_cast %parallel_loop3A_1035 : i32 to index
      %parallel_loop3A_1037 = tpu.vector_load %arg8[%parallel_loop3A_1036] {strides = array<i32>} : memref<65536xf32, #tpu.memory_space<vmem>>, vector<16xf32>,
      %parallel_loop3A_1038 = vector.broadcast %parallel_loop3A_1019 : f32 to vector<16xf32>
      %parallel_loop3A_1039 = arith.mulf %parallel_loop3A_1038, %parallel_loop3A_1037 : vector<16xf32>
      %parallel_loop3A_1040 = arith.addf %parallel_loop3A_1010, %parallel_loop3A_1039 : vector<16xf32>
      %parallel_loop3A_1041 = arith.constant 48 : i32
      %parallel_loop3A_1042 = arith.addi %parallel_loop3A_1021, %parallel_loop3A_1041 : i32
      %parallel_loop3A_1043 = arith.index_cast %parallel_loop3A_1042 : i32 to index
      %parallel_loop3A_1044 = tpu.vector_load %arg8[%parallel_loop3A_1043] {strides = array<i32>} : memref<65536xf32, #tpu.memory_space<vmem>>, vector<16xf32>,
      %parallel_loop3A_1045 = vector.broadcast %parallel_loop3A_1019 : f32 to vector<16xf32>
      %parallel_loop3A_1046 = arith.mulf %parallel_loop3A_1045, %parallel_loop3A_1044 : vector<16xf32>
      %parallel_loop3A_1047 = arith.addf %parallel_loop3A_1017, %parallel_loop3A_1046 : vector<16xf32>
      %parallel_loop3A_1048 = vector.extract_strided_slice %parallel_loop3A_103 {offsets = [15], sizes = [1], strides = [1]} : vector<16xf32> to vector<1xf32>
      %parallel_loop3A_1049 = vector.extract %parallel_loop3A_1048[0] : f32 from vector<1xf32>
      %parallel_loop3A_1050 = vector.extract_strided_slice %parallel_loop3A_109 {offsets = [15], sizes = [1], strides = [1]} : vector<16xi32> to vector<1xi32>
      %parallel_loop3A_1051 = vector.extract %parallel_loop3A_1050[0] : i32 from vector<1xi32>
      %parallel_loop3A_1052 = arith.index_cast %parallel_loop3A_1051 : i32 to index
      %parallel_loop3A_1053 = tpu.vector_load %arg8[%parallel_loop3A_1052] {strides = array<i32>} : memref<65536xf32, #tpu.memory_space<vmem>>, vector<16xf32>,
      %parallel_loop3A_1054 = vector.broadcast %parallel_loop3A_1049 : f32 to vector<16xf32>
      %parallel_loop3A_1055 = arith.mulf %parallel_loop3A_1054, %parallel_loop3A_1053 : vector<16xf32>
      %parallel_loop3A_1056 = arith.addf %parallel_loop3A_1026, %parallel_loop3A_1055 : vector<16xf32>
      %parallel_loop3A_1057 = arith.constant 16 : i32
      %parallel_loop3A_1058 = arith.addi %parallel_loop3A_1051, %parallel_loop3A_1057 : i32
      %parallel_loop3A_1059 = arith.index_cast %parallel_loop3A_1058 : i32 to index
      %parallel_loop3A_1060 = tpu.vector_load %arg8[%parallel_loop3A_1059] {strides = array<i32>} : memref<65536xf32, #tpu.memory_space<vmem>>, vector<16xf32>,
      %parallel_loop3A_1061 = vector.broadcast %parallel_loop3A_1049 : f32 to vector<16xf32>
      %parallel_loop3A_1062 = arith.mulf %parallel_loop3A_1061, %parallel_loop3A_1060 : vector<16xf32>
      %parallel_loop3A_1063 = arith.addf %parallel_loop3A_1033, %parallel_loop3A_1062 : vector<16xf32>
      %parallel_loop3A_1064 = arith.constant 32 : i32
      %parallel_loop3A_1065 = arith.addi %parallel_loop3A_1051, %parallel_loop3A_1064 : i32
      %parallel_loop3A_1066 = arith.index_cast %parallel_loop3A_1065 : i32 to index
      %parallel_loop3A_1067 = tpu.vector_load %arg8[%parallel_loop3A_1066] {strides = array<i32>} : memref<65536xf32, #tpu.memory_space<vmem>>, vector<16xf32>,
      %parallel_loop3A_1068 = vector.broadcast %parallel_loop3A_1049 : f32 to vector<16xf32>
      %parallel_loop3A_1069 = arith.mulf %parallel_loop3A_1068, %parallel_loop3A_1067 : vector<16xf32>
      %parallel_loop3A_1070 = arith.addf %parallel_loop3A_1040, %parallel_loop3A_1069 : vector<16xf32>
      %parallel_loop3A_1071 = arith.constant 48 : i32
      %parallel_loop3A_1072 = arith.addi %parallel_loop3A_1051, %parallel_loop3A_1071 : i32
      %parallel_loop3A_1073 = arith.index_cast %parallel_loop3A_1072 : i32 to index
      %parallel_loop3A_1074 = tpu.vector_load %arg8[%parallel_loop3A_1073] {strides = array<i32>} : memref<65536xf32, #tpu.memory_space<vmem>>, vector<16xf32>,
      %parallel_loop3A_1075 = vector.broadcast %parallel_loop3A_1049 : f32 to vector<16xf32>
      %parallel_loop3A_1076 = arith.mulf %parallel_loop3A_1075, %parallel_loop3A_1074 : vector<16xf32>
      %parallel_loop3A_1077 = arith.addf %parallel_loop3A_1047, %parallel_loop3A_1076 : vector<16xf32>
      %parallel_loop3A_1078 = arith.constant 0.000000e+00 : f32
      %parallel_loop3A_1079 = vector.broadcast %parallel_loop3A_1078 : f32 to vector<16xf32>
      %parallel_loop3A_1080 = arith.maximumf %parallel_loop3A_1056, %parallel_loop3A_1079 : vector<16xf32>
      %parallel_loop3A_1081 = arith.mulf %parallel_loop3A_1080, %get3A_47 : vector<16xf32>
      %parallel_loop3A_1082 = arith.constant 0.000000e+00 : f32
      %parallel_loop3A_1083 = vector.broadcast %parallel_loop3A_1082 : f32 to vector<16xf32>
      %parallel_loop3A_1084 = arith.maximumf %parallel_loop3A_1063, %parallel_loop3A_1083 : vector<16xf32>
      %parallel_loop3A_1085 = arith.mulf %parallel_loop3A_1084, %get3A_49 : vector<16xf32>
      %parallel_loop3A_1086 = arith.addf %parallel_loop3A_1081, %parallel_loop3A_1085 : vector<16xf32>
      %parallel_loop3A_1087 = arith.constant 0.000000e+00 : f32
      %parallel_loop3A_1088 = vector.broadcast %parallel_loop3A_1087 : f32 to vector<16xf32>
      %parallel_loop3A_1089 = arith.maximumf %parallel_loop3A_1070, %parallel_loop3A_1088 : vector<16xf32>
      %parallel_loop3A_1090 = arith.mulf %parallel_loop3A_1089, %get3A_51 : vector<16xf32>
      %parallel_loop3A_1091 = arith.addf %parallel_loop3A_1086, %parallel_loop3A_1090 : vector<16xf32>
      %parallel_loop3A_1092 = arith.constant 0.000000e+00 : f32
      %parallel_loop3A_1093 = vector.broadcast %parallel_loop3A_1092 : f32 to vector<16xf32>
      %parallel_loop3A_1094 = arith.maximumf %parallel_loop3A_1077, %parallel_loop3A_1093 : vector<16xf32>
      %parallel_loop3A_1095 = arith.mulf %parallel_loop3A_1094, %get3A_53 : vector<16xf32>
      %parallel_loop3A_1096 = arith.addf %parallel_loop3A_1091, %parallel_loop3A_1095 : vector<16xf32>
      %parallel_loop3A_1097 = arith.constant true
      %parallel_loop3A_1098 = vector.broadcast %parallel_loop3A_1097 : i1 to vector<16xi1>
      %parallel_loop3A_1099 = tpu.scan <sum>, %parallel_loop3A_1096 masked %parallel_loop3A_1098 : vector<16xf32>, vector<16xi1> -> vector<16xf32>
      %parallel_loop3A_1100 = vector.extract %parallel_loop3A_1099[15] : f32 from vector<16xf32>
      %parallel_loop3A_1101 = vector.broadcast %parallel_loop3A_1100 : f32 to vector<16xf32>
      tpu.vector_store_idx %arg13[%parallel_loop3A_70], %parallel_loop3A_1101 masked %eq3A_46 : memref<512xf32, #tpu.memory_space<vmem>>[vector<16xi32>], vector<16xf32>, vector<16xi1>
    } {sc.loop_unroll_factor = 2 : i64, sc.parallel_access}
    %mul3A_56 = arith.constant 1024 : i32
    %mul3A_57 = arith.muli %select_n3A, %mul3A_56 : i32
    %add3A_58 = arith.addi %mul3A_57, %mul3A_32 : i32
    "tpu.region"() ({
      %run_scoped3A = tpu.sem_alloc : memref<!tpu.dma_semaphore, #tpu.memory_space<semaphore_mem>>
      %dma_start3A = tpu.memref_slice %arg7[%add3A_58] : memref<16384xf32, #tpu.memory_space<hbm>> -> memref<512xf32, #tpu.memory_space<hbm>>
      %dma_start3A_59 = tpu.memref_slice %arg7[%add3A_58] : memref<16384xf32, #tpu.memory_space<hbm>> -> memref<512xf32, #tpu.memory_space<hbm>>
      tpu.enqueue_dma source(%arg13 : memref<512xf32, #tpu.memory_space<vmem>>) target(%dma_start3A_59 : memref<512xf32, #tpu.memory_space<hbm>>) target_semaphore(%run_scoped3A : memref<!tpu.dma_semaphore, #tpu.memory_space<semaphore_mem>>)
      %dma_wait3A = tpu.memref_slice %arg7[%add3A_58] : memref<16384xf32, #tpu.memory_space<hbm>> -> memref<512xf32, #tpu.memory_space<hbm>>
      %dma_wait3A_60 = tpu.memref_slice %arg7[%add3A_58] : memref<16384xf32, #tpu.memory_space<hbm>> -> memref<512xf32, #tpu.memory_space<hbm>>
      tpu.wait_dma2 semaphore(%run_scoped3A : memref<!tpu.dma_semaphore, #tpu.memory_space<semaphore_mem>>) src(%arg13 : memref<512xf32, #tpu.memory_space<vmem>>) dst(%dma_wait3A_60 : memref<512xf32, #tpu.memory_space<hbm>>)
      tpu.yield
    }) : () -> ()
    return
  }
}

module attributes {stable_mosaic.version = 14 : i64} {
  func.func @_topk_body(%arg0: memref<1024x64xf32, #tpu.memory_space<vmem>>, %arg1: memref<32x1024xi32, #tpu.memory_space<vmem>>) attributes {dimension_semantics = [], scalar_prefetch = 0 : i64, scratch_operands = 0 : i64, tpu.core_type = #tpu.core_type<tc>} {
    %get3A = arith.constant 0 : index
    %get3A_0 = arith.constant 0 : index
    %get3A_1 = vector.load %arg0[%get3A, %get3A_0] : memref<1024x64xf32, #tpu.memory_space<vmem>>, vector<1024x64xf32>
    %mul3A = arith.mulf %get3A_1, %get3A_1 : vector<1024x64xf32>
    %reduce_sum3A = arith.constant dense<0.000000e+00> : vector<1024xf32>
    %reduce_sum3A_2 = vector.multi_reduction <add>, %mul3A, %reduce_sum3A [1] : vector<1024x64xf32> to vector<1024xf32>
    %sqrt3A = math.sqrt %reduce_sum3A_2 : vector<1024xf32>
    %dot_general3A = arith.constant dense<0.000000e+00> : vector<1024x1024xf32>
    %dot_general3A_3 = tpu.matmul %get3A_1, %get3A_1, %dot_general3A {dimension_numbers = #tpu.dot_dimension_numbers<[1], [1], [0], [0], [0, 0, 1, 0], [], []>, transpose_lhs_hint = false} : vector<1024x64xf32>, vector<1024x64xf32>, vector<1024x1024xf32> -> vector<1024x1024xf32>
    %broadcast_in_dim3A = vector.shape_cast %sqrt3A : vector<1024xf32> to vector<1024x1xf32>
    %div3A = vector.broadcast %broadcast_in_dim3A : vector<1024x1xf32> to vector<1024x1024xf32>
    %div3A_4 = arith.divf %dot_general3A_3, %div3A : vector<1024x1024xf32>
    %iota3A = tpu.iota {dimensions = array<i32: 0>} : vector<1024x1024xi32>
    %iota3A_5 = tpu.iota {dimensions = array<i32: 0>} : vector<32x1024xi32>
    %broadcast_in_dim3A_6 = arith.constant 0 : i32
    %broadcast_in_dim3A_7 = vector.broadcast %broadcast_in_dim3A_6 : i32 to vector<32x1024xi32>
    %scan3A = arith.constant 0 : i32
    %scan3A_8 = arith.constant 32 : i32
    %scan3A_9 = arith.addi %scan3A, %scan3A_8 : i32
    %scan3A_10 = arith.constant 1 : i32
    %scan3A_11:2 = scf.for %scan3A_15 = %scan3A to %scan3A_9 step %scan3A_10 iter_args(%scan3A_16 = %div3A_4, %scan3A_17 = %broadcast_in_dim3A_7) -> (vector<1024x1024xf32>, vector<32x1024xi32>)  : i32 {
      %reduce_max3A = arith.constant dense<0xFF800000> : vector<1024xf32>
      %reduce_max3A_18 = vector.multi_reduction <maximumf>, %scan3A_16, %reduce_max3A [0] : vector<1024x1024xf32> to vector<1024xf32>
      %broadcast_in_dim3A_19 = vector.shape_cast %reduce_max3A_18 : vector<1024xf32> to vector<1x1024xf32>
      %ge3A = vector.broadcast %broadcast_in_dim3A_19 : vector<1x1024xf32> to vector<1024x1024xf32>
      %ge3A_20 = arith.cmpf oge, %scan3A_16, %ge3A : vector<1024x1024xf32>
      %jit3A = arith.constant 1024 : i32
      %broadcast_in_dim3A_21 = vector.broadcast %jit3A : i32 to vector<1024x1024xi32>
      %select_n3A = arith.select %ge3A_20, %iota3A, %broadcast_in_dim3A_21 : vector<1024x1024xi1>, vector<1024x1024xi32>
      %reduce_min3A = arith.constant dense<2147483647> : vector<1024xi32>
      %reduce_min3A_22 = vector.multi_reduction <minsi>, %select_n3A, %reduce_min3A [0] : vector<1024x1024xi32> to vector<1024xi32>
      %broadcast_in_dim3A_23 = vector.shape_cast %reduce_min3A_22 : vector<1024xi32> to vector<1x1024xi32>
      %eq3A = vector.broadcast %scan3A_15 : i32 to vector<32x1024xi32>
      %eq3A_24 = arith.cmpi eq, %iota3A_5, %eq3A : vector<32x1024xi32>
      %broadcast_in_dim3A_25 = vector.shape_cast %broadcast_in_dim3A_23 : vector<1x1024xi32> to vector<1x1024xi32>
      %broadcast_in_dim3A_26 = vector.broadcast %broadcast_in_dim3A_25 : vector<1x1024xi32> to vector<32x1024xi32>
      %select_n3A_27 = arith.select %eq3A_24, %broadcast_in_dim3A_26, %scan3A_17 : vector<32x1024xi1>, vector<32x1024xi32>
      %eq3A_28 = vector.broadcast %broadcast_in_dim3A_23 : vector<1x1024xi32> to vector<1024x1024xi32>
      %eq3A_29 = arith.cmpi eq, %iota3A, %eq3A_28 : vector<1024x1024xi32>
      %jit3A_30 = arith.constant 0xFF800000 : f32
      %broadcast_in_dim3A_31 = vector.broadcast %jit3A_30 : f32 to vector<1024x1024xf32>
      %select_n3A_32 = arith.select %eq3A_29, %broadcast_in_dim3A_31, %scan3A_16 : vector<1024x1024xi1>, vector<1024x1024xf32>
      scf.yield %select_n3A_32, %select_n3A_27 : vector<1024x1024xf32>, vector<32x1024xi32>
    }
    %scan3A_12 = arith.constant 32 : i32
    %swap3A = arith.constant 0 : index
    %swap3A_13 = arith.constant 0 : index
    %swap3A_14 = vector.load %arg1[%swap3A, %swap3A_13] : memref<32x1024xi32, #tpu.memory_space<vmem>>, vector<32x1024xi32>
    tpu.vector_store %arg1[%swap3A, %swap3A_13], %scan3A_11#1 {strides = array<i32>} : memref<32x1024xi32, #tpu.memory_space<vmem>>, vector<32x1024xi32>,
    return
  }
}

module attributes {stable_mosaic.version = 14 : i64} {
  func.func @_feat_body(%arg0: i32, %arg1: memref<1x1024x128xf32, #tpu.memory_space<vmem>>, %arg2: memref<128x64xf32, #tpu.memory_space<vmem>>, %arg3: memref<1x64xf32, #tpu.memory_space<vmem>>, %arg4: memref<1x128xf32, #tpu.memory_space<vmem>>, %arg5: memref<1x128xf32, #tpu.memory_space<vmem>>, %arg6: memref<1024x64xf32, #tpu.memory_space<vmem>>, %arg7: memref<1x1024x64xf32, #tpu.memory_space<vmem>>, %arg8: memref<1x8x128xf32, #tpu.memory_space<vmem>>, %arg9: memref<1x8x128xf32, #tpu.memory_space<vmem>>) attributes {dimension_semantics = [#tpu.dimension_semantics<arbitrary>], iteration_bounds = array<i64: 16>, scalar_prefetch = 0 : i64, scratch_operands = 0 : i64, tpu.core_type = #tpu.core_type<tc>, window_params = [{transform_indices = @transform_0, window_bounds = array<i64: 1, 1024, 128>}, {pipeline_mode = #tpu.pipeline_mode<synchronous>, transform_indices = @transform_1, window_bounds = array<i64: 128, 64>}, {pipeline_mode = #tpu.pipeline_mode<synchronous>, transform_indices = @transform_2, window_bounds = array<i64: 1, 64>}, {pipeline_mode = #tpu.pipeline_mode<synchronous>, transform_indices = @transform_3, window_bounds = array<i64: 1, 128>}, {pipeline_mode = #tpu.pipeline_mode<synchronous>, transform_indices = @transform_4, window_bounds = array<i64: 1, 128>}, {pipeline_mode = #tpu.pipeline_mode<synchronous>, transform_indices = @transform_5, window_bounds = array<i64: 1024, 64>}, {transform_indices = @transform_6, window_bounds = array<i64: 1, 1024, 64>}, {transform_indices = @transform_7, window_bounds = array<i64: 1, 8, 128>}, {transform_indices = @transform_8, window_bounds = array<i64: 1, 8, 128>}]} {
    %get3A = arith.constant 0 : index
    %get3A_0 = arith.constant 0 : index
    %get3A_1 = arith.constant 0 : index
    %get3A_2 = vector.load %arg1[%get3A, %get3A_0, %get3A_1] : memref<1x1024x128xf32, #tpu.memory_space<vmem>>, vector<1x1024x128xf32>
    %get3A_3 = vector.shape_cast %get3A_2 : vector<1x1024x128xf32> to vector<1024x128xf32>
    %get3A_4 = arith.constant 0 : index
    %get3A_5 = arith.constant 0 : index
    %get3A_6 = vector.load %arg2[%get3A_4, %get3A_5] : memref<128x64xf32, #tpu.memory_space<vmem>>, vector<128x64xf32>
    %dot_general3A = arith.constant dense<0.000000e+00> : vector<1024x64xf32>
    %dot_general3A_7 = tpu.matmul %get3A_3, %get3A_6, %dot_general3A {dimension_numbers = #tpu.dot_dimension_numbers<[1], [0], [0], [1], [0, 0, 1, 1], [], []>, transpose_lhs_hint = false} : vector<1024x128xf32>, vector<128x64xf32>, vector<1024x64xf32> -> vector<1024x64xf32>
    %get3A_8 = arith.constant 0 : index
    %get3A_9 = arith.constant 0 : index
    %get3A_10 = vector.load %arg3[%get3A_8, %get3A_9] : memref<1x64xf32, #tpu.memory_space<vmem>>, vector<1x64xf32>
    %get3A_11 = vector.shape_cast %get3A_10 : vector<1x64xf32> to vector<64xf32>
    %broadcast_in_dim3A = vector.shape_cast %get3A_11 : vector<64xf32> to vector<1x64xf32>
    %add3A = vector.broadcast %broadcast_in_dim3A : vector<1x64xf32> to vector<1024x64xf32>
    %add3A_12 = arith.addf %dot_general3A_7, %add3A : vector<1024x64xf32>
    %swap3A = arith.constant 0 : index
    %swap3A_13 = arith.constant 0 : index
    %swap3A_14 = arith.constant 0 : index
    %swap3A_15 = vector.load %arg7[%swap3A, %swap3A_13, %swap3A_14] : memref<1x1024x64xf32, #tpu.memory_space<vmem>>, vector<1x1024x64xf32>
    %swap3A_16 = vector.shape_cast %swap3A_15 : vector<1x1024x64xf32> to vector<1024x64xf32>
    %swap3A_17 = vector.shape_cast %add3A_12 : vector<1024x64xf32> to vector<1x1024x64xf32>
    tpu.vector_store %arg7[%swap3A, %swap3A_13, %swap3A_14], %swap3A_17 {strides = array<i32>} : memref<1x1024x64xf32, #tpu.memory_space<vmem>>, vector<1x1024x64xf32>,
    %get3A_18 = arith.constant 0 : index
    %get3A_19 = arith.constant 0 : index
    %get3A_20 = vector.load %arg6[%get3A_18, %get3A_19] : memref<1024x64xf32, #tpu.memory_space<vmem>>, vector<1024x64xf32>
    %get3A_21 = arith.constant 0 : index
    %get3A_22 = arith.constant 0 : index
    %get3A_23 = vector.load %arg4[%get3A_21, %get3A_22] : memref<1x128xf32, #tpu.memory_space<vmem>>, vector<1x128xf32>
    %get3A_24 = vector.shape_cast %get3A_23 : vector<1x128xf32> to vector<128xf32>
    %get3A_25 = arith.constant 0 : index
    %get3A_26 = arith.constant 0 : index
    %get3A_27 = vector.load %arg5[%get3A_25, %get3A_26] : memref<1x128xf32, #tpu.memory_space<vmem>>, vector<1x128xf32>
    %get3A_28 = vector.shape_cast %get3A_27 : vector<1x128xf32> to vector<128xf32>
    %slice3A = vector.extract_strided_slice %get3A_24 {offsets = [0], sizes = [64], strides = [1]} : vector<128xf32> to vector<64xf32>
    %broadcast_in_dim3A_29 = vector.shape_cast %slice3A : vector<64xf32> to vector<1x64xf32>
    %mul3A = vector.broadcast %broadcast_in_dim3A_29 : vector<1x64xf32> to vector<1024x64xf32>
    %mul3A_30 = arith.mulf %add3A_12, %mul3A : vector<1024x64xf32>
    %reduce_sum3A = arith.constant dense<0.000000e+00> : vector<1024xf32>
    %reduce_sum3A_31 = vector.multi_reduction <add>, %mul3A_30, %reduce_sum3A [1] : vector<1024x64xf32> to vector<1024xf32>
    %slice3A_32 = vector.extract_strided_slice %get3A_24 {offsets = [64], sizes = [64], strides = [1]} : vector<128xf32> to vector<64xf32>
    %broadcast_in_dim3A_33 = vector.shape_cast %slice3A_32 : vector<64xf32> to vector<1x64xf32>
    %mul3A_34 = vector.broadcast %broadcast_in_dim3A_33 : vector<1x64xf32> to vector<1024x64xf32>
    %mul3A_35 = arith.mulf %get3A_20, %mul3A_34 : vector<1024x64xf32>
    %reduce_sum3A_36 = arith.constant dense<0.000000e+00> : vector<1024xf32>
    %reduce_sum3A_37 = vector.multi_reduction <add>, %mul3A_35, %reduce_sum3A_36 [1] : vector<1024x64xf32> to vector<1024xf32>
    %add3A_38 = arith.addf %reduce_sum3A_31, %reduce_sum3A_37 : vector<1024xf32>
    %slice3A_39 = vector.extract_strided_slice %get3A_28 {offsets = [0], sizes = [64], strides = [1]} : vector<128xf32> to vector<64xf32>
    %broadcast_in_dim3A_40 = vector.shape_cast %slice3A_39 : vector<64xf32> to vector<1x64xf32>
    %mul3A_41 = vector.broadcast %broadcast_in_dim3A_40 : vector<1x64xf32> to vector<1024x64xf32>
    %mul3A_42 = arith.mulf %add3A_12, %mul3A_41 : vector<1024x64xf32>
    %reduce_sum3A_43 = arith.constant dense<0.000000e+00> : vector<1024xf32>
    %reduce_sum3A_44 = vector.multi_reduction <add>, %mul3A_42, %reduce_sum3A_43 [1] : vector<1024x64xf32> to vector<1024xf32>
    %slice3A_45 = vector.extract_strided_slice %get3A_28 {offsets = [64], sizes = [64], strides = [1]} : vector<128xf32> to vector<64xf32>
    %broadcast_in_dim3A_46 = vector.shape_cast %slice3A_45 : vector<64xf32> to vector<1x64xf32>
    %mul3A_47 = vector.broadcast %broadcast_in_dim3A_46 : vector<1x64xf32> to vector<1024x64xf32>
    %mul3A_48 = arith.mulf %get3A_20, %mul3A_47 : vector<1024x64xf32>
    %reduce_sum3A_49 = arith.constant dense<0.000000e+00> : vector<1024xf32>
    %reduce_sum3A_50 = vector.multi_reduction <add>, %mul3A_48, %reduce_sum3A_49 [1] : vector<1024x64xf32> to vector<1024xf32>
    %add3A_51 = arith.addf %reduce_sum3A_44, %reduce_sum3A_50 : vector<1024xf32>
    %reshape3A = vector.shape_cast %add3A_38 : vector<1024xf32> to vector<8x128xf32>
    %swap3A_52 = arith.constant 0 : index
    %swap3A_53 = arith.constant 0 : index
    %swap3A_54 = arith.constant 0 : index
    %swap3A_55 = vector.load %arg8[%swap3A_52, %swap3A_53, %swap3A_54] : memref<1x8x128xf32, #tpu.memory_space<vmem>>, vector<1x8x128xf32>
    %swap3A_56 = vector.shape_cast %swap3A_55 : vector<1x8x128xf32> to vector<8x128xf32>
    %swap3A_57 = vector.shape_cast %reshape3A : vector<8x128xf32> to vector<1x8x128xf32>
    tpu.vector_store %arg8[%swap3A_52, %swap3A_53, %swap3A_54], %swap3A_57 {strides = array<i32>} : memref<1x8x128xf32, #tpu.memory_space<vmem>>, vector<1x8x128xf32>,
    %reshape3A_58 = vector.shape_cast %add3A_51 : vector<1024xf32> to vector<8x128xf32>
    %swap3A_59 = arith.constant 0 : index
    %swap3A_60 = arith.constant 0 : index
    %swap3A_61 = arith.constant 0 : index
    %swap3A_62 = vector.load %arg9[%swap3A_59, %swap3A_60, %swap3A_61] : memref<1x8x128xf32, #tpu.memory_space<vmem>>, vector<1x8x128xf32>
    %swap3A_63 = vector.shape_cast %swap3A_62 : vector<1x8x128xf32> to vector<8x128xf32>
    %swap3A_64 = vector.shape_cast %reshape3A_58 : vector<8x128xf32> to vector<1x8x128xf32>
    tpu.vector_store %arg9[%swap3A_59, %swap3A_60, %swap3A_61], %swap3A_64 {strides = array<i32>} : memref<1x8x128xf32, #tpu.memory_space<vmem>>, vector<1x8x128xf32>,
    return
  }
  func.func @transform_0(%arg0: i32) -> (i32, i32, i32) {
    %c0_i32 = arith.constant 0 : i32
    %c0_i32_0 = arith.constant 0 : i32
    %c0_i32_1 = arith.constant 0 : i32
    return %arg0, %c0_i32, %c0_i32_0 : i32, i32, i32
  }
  func.func @transform_1(%arg0: i32) -> (i32, i32) {
    %c0_i32 = arith.constant 0 : i32
    %c0_i32_0 = arith.constant 0 : i32
    %c0_i32_1 = arith.constant 0 : i32
    return %c0_i32, %c0_i32_0 : i32, i32
  }
  func.func @transform_2(%arg0: i32) -> (i32, i32) {
    %c0_i32 = arith.constant 0 : i32
    %c0_i32_0 = arith.constant 0 : i32
    %c0_i32_1 = arith.constant 0 : i32
    return %c0_i32, %c0_i32_0 : i32, i32
  }
  func.func @transform_3(%arg0: i32) -> (i32, i32) {
    %c0_i32 = arith.constant 0 : i32
    %c0_i32_0 = arith.constant 0 : i32
    %c0_i32_1 = arith.constant 0 : i32
    return %c0_i32, %c0_i32_0 : i32, i32
  }
  func.func @transform_4(%arg0: i32) -> (i32, i32) {
    %c0_i32 = arith.constant 0 : i32
    %c0_i32_0 = arith.constant 0 : i32
    %c0_i32_1 = arith.constant 0 : i32
    return %c0_i32, %c0_i32_0 : i32, i32
  }
  func.func @transform_5(%arg0: i32) -> (i32, i32) {
    %c0_i32 = arith.constant 0 : i32
    %c0_i32_0 = arith.constant 0 : i32
    %c0_i32_1 = arith.constant 0 : i32
    return %c0_i32, %c0_i32_0 : i32, i32
  }
  func.func @transform_6(%arg0: i32) -> (i32, i32, i32) {
    %c0_i32 = arith.constant 0 : i32
    %c0_i32_0 = arith.constant 0 : i32
    %c0_i32_1 = arith.constant 0 : i32
    return %arg0, %c0_i32, %c0_i32_0 : i32, i32, i32
  }
  func.func @transform_7(%arg0: i32) -> (i32, i32, i32) {
    %c0_i32 = arith.constant 0 : i32
    %c0_i32_0 = arith.constant 0 : i32
    %c0_i32_1 = arith.constant 0 : i32
    return %arg0, %c0_i32, %c0_i32_0 : i32, i32, i32
  }
  func.func @transform_8(%arg0: i32) -> (i32, i32, i32) {
    %c0_i32 = arith.constant 0 : i32
    %c0_i32_0 = arith.constant 0 : i32
    %c0_i32_1 = arith.constant 0 : i32
    return %arg0, %c0_i32, %c0_i32_0 : i32, i32, i32
  }
}

</mosaic_0001>

<sc_bundles>
// kernel: kernel.5.cloned.1.call-start
scs
__scs_entry_jumppad:
0x0: {  	(pc) =	sbr.rel $0x88, $3  }
0x1: {  	(tag) =	ssettag $0x0;
	lr =	simm.s32 $0x1  }
0x2: {  	[smem:$0x3F99] =	sst lr;
	_ =	strace $0xD0000000  }
0x3: {  	_ = 	snop  }
0x4: {  	_ = 	snop  }
0x5: {  	_ = 	snop  }
0x6: {  	_ = 	snop  }
0x7: {  	_ = 	snop  }
__scs_overlays_trampoline_lowered:
0x8: {  	[smem:$0x3FA8] =	sst s0  }
0x9: {  	[smem:$0x3FA9] =	sst s1  }
0xa: {  	[smem:$0x3FAA] =	sst s2  }
0xb: {  	[smem:$0x3FAB] =	sst s3  }
0xc: {  	[smem:$0x3FAC] =	sst s4  }
0xd: {  	[smem:$0x3FAD] =	sst s5  }
0xe: {  	[smem:$0x3FAE] =	sst s6  }
0xf: {  	[smem:$0x3FAF] =	sst s7  }
0x10: {  	[smem:$0x3FB0] =	sst s8  }
0x11: {  	[smem:$0x3FB1] =	sst s9;
	s0 =	simm.s32 @!p0 $0x0  }
0x12: {  	s1 =	sld [smem:$0x3F97];
	s0 =	simm.s32 @p0 $0x1  }
0x13: {  	[smem:$0x3FB2] =	sst s0;
	s0 =	simm.s32 @!p1 $0x0  }
0x14: {  	s2 =	sld [smem:$0x3F96];
	s0 =	simm.s32 @p1 $0x1  }
0x15: {  	[smem:$0x3FB3] =	sst s0;
	s0 =	simm.s32 @!p2 $0x0  }
0x16: {  	s3 =	sld [smem:$0x3FDB];
	s0 =	simm.s32 @p2 $0x1  }
0x17: {  	s4 =	simm.s32 $0x1BF5;
	[smem:$0x3FB5] =	sst s0  }
0x18: {  	s0 =	sld [smem:$0x3F98];
	_ =	swait.ge [sflag:s4], $0x0  }
0x19: {  	s7 =	sld [smem:$0x3F99]  }
0x1a: {  	s8 =	sadd.s32 $0xFFFFE003, lr  }
0x1b: {  	s9 =	sadd.s32 $0xFFFFFEF7, lr;
	s5 =	simm.s32 $0xFFFFFFFF;
	p2 =	slt.u32 s8, $0xFFFFF086  }
0x1c: {  	p1 =	slt.u32 s9, $0xF7A;
	s5 =	simm.s32 @!p2 $0x0  }
0x1d: {  	s5 =	simm.s32 @p1 $0x1;
	p0 =	seq.s32 s7, s2  }
0x1e: {  	s7 =	smul.u32 @!p0 $0xF7A, s2;
	p2 =	seq.s32 @!p0 s5, $0x0  }
0x1f: {  	s9 =	smul.u32 $0xF7A, s1;
	s8 =	simm.s32 @!p0 $0x1BF5;
	p2 =	por !p2, p0  }
0x20: {  	[sflag:s8] =	ssyncset.s32 @!p0 $0xFFFFF086;
	s6 =	sadd.s32 @!p0 s3, s7;
	s7 =	simm.s32 @!p0 $0x108  }
0x21: {  	s3 =	sadd.s32 s3, s9;
	s6 =	sadd.s32 @!p0 $0x88, s6;
	s7 =	simm.s32 @p2 $0x1082  }
0x22: {  	[simem:s7], [sflag:s8] =	dma.local @!p0 [hbm:s6], $0xF7A  }
0x23: {  	s9 =	sor.u32 $0xD0000000, s2;
	s6 =	simm.s32 $0x108;
	_ =	swait.ge @!p0 [sflag:s8], $0x0  }
0x24: {  	s3 =	sadd.s32 $0x88, s3;
	s6 =	simm.s32 @!p1 $0x1082;
	[sflag:s4] =	ssyncset.s32 $0xFFFFF086  }
0x25: {  	[simem:s6], [sflag:s4] =	dma.local [hbm:s3], $0xF7A  }
0x26: {  	[smem:$0x3F99] =	sst s1;
	(tag) =	ssettag s2;
	_ =	strace s9  }
0x27: {  	s1 =	sld [smem:$0x3FA9]  }
0x28: {  	s2 =	sld [smem:$0x3FAA]  }
0x29: {  	s4 =	sld [smem:$0x3FAC]  }
0x2a: {  	p0 =	seq.s32 s5, $0x0;
	s5 =	sld [smem:$0x3FAD]  }
0x2b: {  	s6 =	sld [smem:$0x3FAE]  }
0x2c: {  	s7 =	sld [smem:$0x3FAF]  }
0x2d: {  	s3 =	simm.s32 $0x108;
	s8 =	sld [smem:$0x3FB0]  }
0x2e: {  	s3 =	simm.s32 @!p0 $0x1082;
	s9 =	sld [smem:$0x3FB1]  }
0x2f: {  	lr =	sadd.s32 s0, s3;
	s0 =	sld [smem:$0x3FA8]  }
0x30: {  	s3 =	sld [smem:$0x3FAB]  }
0x31: {  	[smem:$0x3FB4] =	sst s10  }
0x32: {  	s10 =	sld [smem:$0x3FB2];
	_ =	sdelay $0x3  }
0x33: {  	p0 =	seq.s32 s10, $0x1;
	s10 =	sld [smem:$0x3FB4];
	_ =	sdelay $0x3  }
0x34: {  	[smem:$0x3FB4] =	sst s10  }
0x35: {  	s10 =	sld [smem:$0x3FB3];
	_ =	sdelay $0x3  }
0x36: {  	p1 =	seq.s32 s10, $0x1;
	s10 =	sld [smem:$0x3FB4];
	_ =	sdelay $0x3  }
0x37: {  	[smem:$0x3FB4] =	sst s10  }
0x38: {  	s10 =	sld [smem:$0x3FB5]  }
0x39: {  	_ = 	snop;
	(pc) =	sbr.ind lr, $3  }
0x3a: {  	_ = 	snop  }
0x3b: {  	_ = 	snop  }
0x3c: {  	p2 =	seq.s32 s10, $0x1;
	s10 =	sld [smem:$0x3FB4]  }
0x3d: {  	_ =	shalt  }
0x3e: {  	_ =	shalt  }
0x3f: {  	_ =	shalt  }
0x40: {  	_ =	shalt  }
0x41: {  	_ =	shalt  }
0x42: {  	_ =	shalt  }
0x43: {  	_ =	shalt  }
0x44: {  	_ =	shalt  }
0x45: {  	_ =	shalt  }
0x46: {  	_ =	shalt  }
0x47: {  	_ =	shalt  }
0x48: {  	_ =	shalt  }
0x49: {  	_ =	shalt  }
0x4a: {  	_ =	shalt  }
0x4b: {  	_ =	shalt  }
0x4c: {  	_ =	shalt  }
0x4d: {  	_ =	shalt  }
0x4e: {  	_ =	shalt  }
0x4f: {  	_ =	shalt  }
0x50: {  	_ =	shalt  }
0x51: {  	_ =	shalt  }
0x52: {  	_ =	shalt  }
0x53: {  	_ =	shalt  }
0x54: {  	_ =	shalt  }
0x55: {  	_ =	shalt  }
0x56: {  	_ =	shalt  }
0x57: {  	_ =	shalt  }
0x58: {  	_ =	shalt  }
0x59: {  	_ =	shalt  }
0x5a: {  	_ =	shalt  }
0x5b: {  	_ =	shalt  }
0x5c: {  	_ =	shalt  }
0x5d: {  	_ =	shalt  }
0x5e: {  	_ =	shalt  }
0x5f: {  	_ =	shalt  }
0x60: {  	_ =	shalt  }
0x61: {  	_ =	shalt  }
0x62: {  	_ =	shalt  }
0x63: {  	_ =	shalt  }
0x64: {  	_ =	shalt  }
0x65: {  	_ =	shalt  }
0x66: {  	_ =	shalt  }
0x67: {  	_ =	shalt  }
0x68: {  	_ =	shalt  }
0x69: {  	_ =	shalt  }
0x6a: {  	_ =	shalt  }
0x6b: {  	_ =	shalt  }
0x6c: {  	_ =	shalt  }
0x6d: {  	_ =	shalt  }
0x6e: {  	_ =	shalt  }
0x6f: {  	_ =	shalt  }
0x70: {  	_ =	shalt  }
0x71: {  	_ =	shalt  }
0x72: {  	_ =	shalt  }
0x73: {  	_ =	shalt  }
0x74: {  	_ =	shalt  }
0x75: {  	_ =	shalt  }
0x76: {  	_ =	shalt  }
0x77: {  	_ =	shalt  }
0x78: {  	_ =	shalt  }
0x79: {  	_ =	shalt  }
0x7a: {  	_ =	shalt  }
0x7b: {  	_ =	shalt  }
0x7c: {  	_ =	shalt  }
0x7d: {  	_ =	shalt  }
0x7e: {  	_ =	shalt  }
0x7f: {  	_ =	shalt  }
0x80: {  	_ =	shalt  }
0x81: {  	_ =	shalt  }
0x82: {  	_ =	shalt  }
0x83: {  	_ =	shalt  }
0x84: {  	_ =	shalt  }
0x85: {  	_ =	shalt  }
0x86: {  	_ =	shalt  }
0x87: {  	_ =	shalt  }
.Lfunc_end0:
.L_simem_size_0:
called_computation_lowered:
.L_overlay_start_0:
0x88: {  	s2 =	sld [smem:$0x3FD9]  }
0x89: {  	s3 =	sld [smem:$0x3FFE];
	_ =	sdelay $0x1  }
0x8a: {  	s1 =	srdreg.scid  }
0x8b: {  	s0 =	sand.u32 $0x1, s1  }
0x8c: {  	s17 =	sshll.u32 s0, $0xA;
	s2 =	sadd.s32 s3, s2  }
0x8d: {  	s2 =	sadd.s32 s2, s17  }
0x8e: {  	[smem:$0x3FC0] =	sst s2  }
0x8f: {  	_ = 	snop  }
0x90: {  	s2 =	sld [smem:$0x3FC3]  }
0x91: {  	s18 =	sld [smem:$0x3FD0];
	(tm) =	ssettm $0x1  }
0x92: {  	s4 =	sld [smem:$0x3FFB];
	_ =	sdelay $0x3  }
0x93: {  	_ =	strace s4  }
0x94: {  	s4 =	sld [smem:$0x3FFC];
	_ =	sdelay $0x3  }
0x95: {  	_ =	strace s4  }
0x96: {  	s4 =	sld [smem:$0x3FFD];
	_ =	sdelay $0x3  }
0x97: {  	_ =	strace s4  }
0x98: {  	_ =	strace $0x8FFFFFFF  }
0x99: {  	s19 =	sld [smem:$0x3FDB];
	_ =	sdelay $0x1  }
0x9a: {  	s5 =	simm.s32 $_scs_section_size  }
0x9b: {  	s6 =	simm.s32 $_size__tile_overlayer_lowered;
	s7 =	simm.s32 $_tile_overlayer_lowered  }
0x9c: {  	s22 =	simm.s32 $0x1BFF;
	s21 =	sshll.u32 s7, $0x1;
	s4 =	sadd.s32 s5, s19  }
0x9d: {  	s8 =	simm.s32 $0x0;
	s20 =	sshll.u32 s6, $0x1;
	s6 =	sadd.s32 s21, s4  }
0x9e: {  	[timem:s8], [sflag:s22] =	dma.local [hbm:s6], s20  }
0x9f: {  	_ =	swait.ge [sflag:s22], s20  }
0xa0: {  	s5 =	ssub.s32 $0x0, s20;
	[sflag:s22] =	ssyncset.done $0x0  }
0xa1: {  	[sflag:s22] =	ssyncadd.s32 s5;
	_ =	sdelay $0x1  }
0xa2: {  	s23 =	simm.s32 $0x1B8B  }
0xa3: {  	_ =	swait.ge [sflag:s23], $0x1  }
0xa4: {  	[sflag:s23] =	ssyncset.done $0x0  }
0xa5: {  	s25 =	simm.s32 $0x1B8E;
	s24 =	sld [smem:$0x3FFE];
	[sflag:s23] =	ssyncadd.s32 $0xFFFFFFFF  }
0xa6: {  	s26 =	simm.s32 $execute0_lowered;
	[smem:$0x3FD2] =	sst s25  }
0xa7: {  	s6 =	sshll.u32 s26, $0x1;
	_ =	strace $0x80000046;
	[dreg:$0x1] =	wrdreg $0xFFFFFFFF  }
0xa8: {  	s28 =	simm.s32 $_size_execute0_lowered;
	s4 =	sadd.s32 s4, s6;
	[dreg:$0x0] =	wrdreg $0x0  }
0xa9: {  	s6 =	sshll.u32 s28, $0x1;
	[dreg:$0x2] =	wrdreg s4  }
0xaa: {  	[dreg:$0x3] =	wrdreg s6  }
0xab: {  	[dreg:$0x4] =	wrdreg $0xC0  }
0xac: {  	_ =	task [dreg:s8], $0x5FFFF  }
0xad: {  	[dreg:$0x1] =	wrdreg $0xFFFFFFFF  }
0xae: {  	[dreg:$0x0] =	wrdreg $0x60  }
0xaf: {  	[dreg:$0x2] =	wrdreg s24  }
0xb0: {  	[dreg:$0x3] =	wrdreg s18  }
0xb1: {  	[dreg:$0x4] =	wrdreg s2  }
0xb2: {  	[dreg:$0x5] =	wrdreg $0x9  }
0xb3: {  	_ =	task.clear_ibuf [dreg:s8], $0x6FFFF;
	_ =	strace $0x90000046  }
0xb4: {  	s29 =	simm.s32 $0x9;
	_ =	strace $0x80000048  }
0xb5: {  	_ =	swait.ge [sflag:s29], $0x1  }
0xb6: {  	[sflag:s29] =	ssyncadd.s32 $0xFFFFFFFF  }
0xb7: {  	_ =	strace $0x90000048  }
0xb8: {  	_ =	sfence  }
0xb9: {  	s30 =	sld [smem:$0x0];
	_ =	sdelay $0x2  }
0xba: {  	s31 =	sshll.u32 s1, $0xD;
	s1 =	sshrl.u32 s1, $0x2  }
0xbb: {  	s3 =	sand.u32 $0x4000, s31;
	s1 =	sadd.s32 s1, s30  }
0xbc: {  	s0 =	sor.u32 s3, s0;
	s1 =	sshll.u32 s1, $0x11  }
0xbd: {  	s0 =	sor.u32 s1, s0  }
0xbe: {  	s0 =	sadd.s32 $0x8F2B, s0  }
0xbf: {  	[sflag:s0] =	ssyncadd.remote.s32 $0x1  }
0xc0: {  	_ =	sfence.sel $0xFFFF  }
0xc1: {  	[dreg:$0x0] =	wrdreg $0xFFFFFFFF;
	(pc) =	sbr.abs _section_cstart, $3  }
0xc2: {  	[dreg:$0x1] =	wrdreg $0xFFFFFFFF  }
0xc3: {  	_ =	task.clear_ibuf [dreg:s8], $0x2FFFF;
	_ =	strace $0x9FFFFFFF  }
0xc4: {  	(tm) =	ssettm $0x7FFFFFFF  }
0xc5: {  	_ =	shalt  }
tec
execute0_lowered:
.L_overlay_start_1:
0x0: {  	(tag) =	ssettag $0x1  }
0x1: {  	s1 =	srdreg.scid;
	s6 =	rddreg [dreg:$0x0]  }
0x2: {  	s0 =	stileid.u32;
	s7 =	rddreg [dreg:$0x1]  }
0x3: {  	s2 =	rddreg [dreg:$0x2];
	s4 =	simm.s32 $0x1;
	s5 =	sand.u32 $0x1, s1  }
0x4: {  	s3 =	simm.s32 $0x0;
	s15 =	simm.s32 $0x14680;
	s1 =	sor.u32 s5, s0  }
0x5: {  	s16 =	simm.s32 $0x0;
	p1 =	seq.s32 s5, $0x1;
	p0 =	seq.s32 s1, $0x0  }
0x6: {  	[smem:$0x7FF] =	sst s3;
	s11 =	sshll.u32 s5, $0x9;
	p0 =	por !p0, !p1  }
0x7: {  	s31 =	ssub.s32 $0x2, s5;
	s5 =	sshll.u32 s5, $0xB;
	p0 =	por !p0, !p0  }
0x8: {  	s1 =	rddreg [dreg:$0x3];
	_ =	strace $0x80000047;
	s4 =	simm.s32 @!p0 $0x0  }
0x9: {  	s12 =	sshrl.u32 s31, $0x1;
	s13 =	sadd.s32 s5, s6;
	s8 =	ssub.s32 s0, s4  }
0xa: {  	s4 =	simm.s32 $0x1;
	s9 =	sshll.u32 s8, $0xD;
	s8 =	sshll.u32 s8, $0xA  }
0xb: {  	s9 =	sand.u32 $0x1FFFE000, s9;
	s10 =	sshrl.u32 s8, $0x3;
	s8 =	sor.u32 s11, s8  }
0xc: {  	s11 =	ssub.s32 s31, s12;
	s12 =	simm.s32 $0x10400;
	s8 =	sshrl.u32 s8, $0x3  }
0xd: {  	s9 =	sadd.s32 s9, s6;
	s10 =	sadd.s32 s10, s6;
	s14 =	sadd.s32 s8, s6  }
0xe: {  	s5 =	sadd.s32 $0x2A00, s9;
	s6 =	sadd.s32 $0x2200, s10;
	s7 =	sadd.s32 s7, s8  }
0xf: {  	s8 =	sadd.s32 $0x1200, s13;
	s10 =	smax.u32 s11, $0x1;
	s11 =	simm.s32 $0x10000  }
0x10: {  	s13 =	simm.s32 $0x10600;
	s9 =	sadd.s32 $0x22A00, s14;
	s14 =	simm.s32 $0x14600  }
.LBB2_1:
0x11: {  	[tilespmem:s3], [sflag:$0x1] =	stream.linear.gather [hbm4b:s5+s3], $0x10000, $0x38;
	[tilespmem:$0x14880] =	vst v63  }
0x12: {  	_ =	swait.ge [sflag:s4], $0x10000  }
0x13: {  	[sflag:s4] =	ssyncset.done $0x0  }
0x14: {  	[sflag:s4] =	ssyncadd.s32 $0xFFFF0000  }
0x15: {  	[tilespmem:s11], [sflag:$0x1] =	stream.linear.gather [hbm4b:s6+s3], $0x400, $0x38;
	[tilespmem:$0x14880] =	vst v63  }
0x16: {  	_ =	swait.ge [sflag:s4], $0x400  }
0x17: {  	[sflag:s4] =	ssyncset.done $0x0  }
0x18: {  	[sflag:s4] =	ssyncadd.s32 $0xFFFFFC00  }
0x19: {  	[tilespmem:s12], [sflag:$0x1] =	stream.linear.gather [hbm4b:s7+s3], $0x200, $0x38;
	[tilespmem:$0x14880] =	vst v63  }
0x1a: {  	_ =	swait.ge [sflag:s4], $0x200  }
0x1b: {  	[sflag:s4] =	ssyncset.done $0x0  }
0x1c: {  	[sflag:s4] =	ssyncadd.s32 $0xFFFFFE00  }
0x1d: {  	[tilespmem:s13], [sflag:$0x1] =	stream.linear.gather [hbm4b:s8+s3], $0x4000, $0x38;
	[tilespmem:$0x14880] =	vst v63  }
0x1e: {  	_ =	swait.ge [sflag:s4], $0x4000  }
0x1f: {  	[sflag:s4] =	ssyncset.done $0x0  }
0x20: {  	[sflag:s4] =	ssyncadd.s32 $0xFFFFC000  }
0x21: {  	[tilespmem:s14], [sflag:$0x1] =	stream.linear.gather [hbm4b:s2+s3], $0x80, $0x38;
	[tilespmem:$0x14880] =	vst v63  }
0x22: {  	_ =	swait.ge [sflag:s4], $0x80  }
0x23: {  	[sflag:s4] =	ssyncset.done $0x0  }
0x24: {  	[sflag:s4] =	ssyncadd.s32 $0xFFFFFF80  }
0x25: {  	v0 =	vld [tilespmem:$0x14600]  }
0x26: {  	v1 =	vld [tilespmem:$0x14610]  }
0x27: {  	v2 =	vld [tilespmem:$0x14620]  }
0x28: {  	s17 =	simm.s32 $0x10620;
	s18 =	simm.s32 $0x0;
	v3 =	vld [tilespmem:$0x14630]  }
.LBB2_2:
0x29: {  	v5 =	vld [tilespmem:s17+$0xFFFFFFE0]  }
0x2a: {  	v4 =	vmov s18  }
0x2b: {  	v9 =	vld [tilespmem:s17+$0xFFFFFFF0];
	v4 =	vand.u32 $0xFFFFFFFE, v4  }
0x2c: {  	v4 =	vbroadcast v4, $0x0;
	_ =	sdelay $0x4  }
0x2d: {  	v6 =	vld.idx.msk [tilespmem:v5+s11+$0x0], $0xffff  }
0x2e: {  	v7 =	vld.idx.msk [tilespmem:v4+s12+$0x0], $0xffff  }
0x2f: {  	v8 =	vld.idx.msk [tilespmem:v9+s11+$0x0], $0xffff;
	_ =	sdelay $0x3  }
0x30: {  	v6 =	vadd.f32 v7, v6  }
0x31: {  	v7 =	vadd.f32 v7, v8  }
0x32: {  	v52 =	vmul.f32 $2.000000030e-01, v6  }
0x33: {  	vm0 =	vge.f32 v6, $0.0e+00;
	v10 =	vmul.f32 $2.000000030e-01, v7  }
0x34: {  	vm13 =	vge.f32 v7, $0.0e+00;
	v6 =	vsel vm0, v6, v52  }
0x35: {  	v7 =	vsel vm13, v7, v10;
	v6 =	vmul.f32 $1.442695020e+00, v6  }
0x36: {  	v7 =	vmul.f32 $1.442695020e+00, v7  }
0x37: {  	(erf) = vpow2.f32 v6  }
0x38: {  	(erf) = vpow2.f32 v7;
	_ =	sdelay $0x7  }
0x39: {  	v53 =	vpop (erf)  }
0x3a: {  	v6 =	vpop (erf);
	(xrf2) =	vadd.scan.msk.f32 $0xffff, v53  }
0x3b: {  	(xrf2) =	vadd.scan.msk.f32 $0xffff, v6;
	_ =	sdelay $0x8  }
0x3c: {  	v54, _, _ =	vpop (xrf2)  }
0x3d: {  	(v2sf) =	vpush v54, $0xF;
	v55, _, _ =	vpop (xrf2)  }
0x3e: {  	v56 =	vshll.u32 v5, $0x6;
	(v2sf) =	vpush v55, $0xF  }
0x3f: {  	(v2sf) =	vpush v56, $0x0;
	_ =	sdelay $0x3  }
0x40: {  	(v2sf) =	vpush v56, $0x1;
	_ =	sdelay $0x3  }
0x41: {  	(v2sf) =	vpush v56, $0x2;
	_ =	sdelay $0x3  }
0x42: {  	(v2sf) =	vpush v56, $0x3  }
0x43: {  	s19 =	spop (v2sf)  }
0x44: {  	s20 =	spop (v2sf)  }
0x45: {  	s21 =	spop (v2sf)  }
0x46: {  	(v2sf) =	vpush v56, $0x4;
	v5 =	vld [tilespmem:s21+$0x0]  }
0x47: {  	v11 =	vld [tilespmem:s21+$0x10]  }
0x48: {  	v12 =	vld [tilespmem:s21+$0x20]  }
0x49: {  	v13 =	vld [tilespmem:s21+$0x30];
	s29 =	spop (v2sf)  }
0x4a: {  	(v2sf) =	vpush v56, $0x5;
	v14 =	vld [tilespmem:s29+$0x0]  }
0x4b: {  	v15 =	vld [tilespmem:s29+$0x10]  }
0x4c: {  	v16 =	vld [tilespmem:s29+$0x20]  }
0x4d: {  	v17 =	vld [tilespmem:s29+$0x30];
	s30 =	spop (v2sf)  }
0x4e: {  	(v2sf) =	vpush v56, $0x6;
	v18 =	vld [tilespmem:s30+$0x0]  }
0x4f: {  	v19 =	vld [tilespmem:s30+$0x10]  }
0x50: {  	v20 =	vld [tilespmem:s30+$0x20]  }
0x51: {  	v21 =	vld [tilespmem:s30+$0x30];
	s31 =	spop (v2sf)  }
0x52: {  	(v2sf) =	vpush v56, $0x7;
	v22 =	vld [tilespmem:s31+$0x0]  }
0x53: {  	v23 =	vld [tilespmem:s31+$0x10]  }
0x54: {  	v24 =	vld [tilespmem:s31+$0x20]  }
0x55: {  	s19 =	sadd.f32 s20, s19;
	v25 =	vld [tilespmem:s31+$0x30];
	s21 =	spop (v2sf)  }
0x56: {  	(v2sf) =	vpush v56, $0x8;
	v26 =	vld [tilespmem:s21+$0x0]  }
0x57: {  	v57 =	vmov s19;
	v27 =	vld [tilespmem:s21+$0x10]  }
0x58: {  	(erf) = vrcp.f32 v57;
	v28 =	vld [tilespmem:s21+$0x20]  }
0x59: {  	v29 =	vld [tilespmem:s21+$0x30];
	s22 =	spop (v2sf)  }
0x5a: {  	(v2sf) =	vpush v56, $0x9;
	v30 =	vld [tilespmem:s22+$0x0]  }
0x5b: {  	v31 =	vld [tilespmem:s22+$0x10]  }
0x5c: {  	v32 =	vld [tilespmem:s22+$0x20]  }
0x5d: {  	v33 =	vld [tilespmem:s22+$0x30];
	s23 =	spop (v2sf)  }
0x5e: {  	(v2sf) =	vpush v56, $0xA;
	v34 =	vld [tilespmem:s23+$0x0]  }
0x5f: {  	v35 =	vld [tilespmem:s23+$0x10]  }
0x60: {  	v36 =	vld [tilespmem:s23+$0x20]  }
0x61: {  	v8 =	vpop (erf);
	v37 =	vld [tilespmem:s23+$0x30];
	s24 =	spop (v2sf)  }
0x62: {  	v7 =	vmul.f32 v8, v53;
	(v2sf) =	vpush v56, $0xB;
	v38 =	vld [tilespmem:s24+$0x0]  }
0x63: {  	v40 =	vld [tilespmem:s24+$0x10]  }
0x64: {  	v6 =	vmul.f32 v8, v6;
	v39 =	vbroadcast v7, $0x0;
	v41 =	vld [tilespmem:s24+$0x20]  }
0x65: {  	v43 =	vbroadcast v7, $0x1;
	v46 =	vbroadcast v7, $0x2;
	v42 =	vld [tilespmem:s24+$0x30];
	s25 =	spop (v2sf)  }
0x66: {  	v5 =	vmul.f32 v39, v5;
	v11 =	vmul.f32 v39, v11;
	(v2sf) =	vpush v56, $0xC;
	v44 =	vld [tilespmem:s25+$0x0]  }
0x67: {  	v12 =	vmul.f32 v39, v12;
	v13 =	vmul.f32 v39, v13;
	v39 =	vld [tilespmem:s25+$0x10]  }
0x68: {  	v62 =	vbroadcast v7, $0x3;
	v14 =	vmul.f32 v43, v14;
	v45 =	vld [tilespmem:s25+$0x20]  }
0x69: {  	v15 =	vmul.f32 v43, v15;
	v16 =	vmul.f32 v43, v16;
	v47 =	vld [tilespmem:s25+$0x30];
	s26 =	spop (v2sf)  }
0x6a: {  	v17 =	vmul.f32 v43, v17;
	v13 =	vadd.f32 $0.0e+00, v13;
	(v2sf) =	vpush v56, $0xD;
	v43 =	vld [tilespmem:s26+$0x0]  }
0x6b: {  	v51 =	vbroadcast v7, $0x4;
	v58 =	vmul.f32 v46, v18;
	v18 =	vld [tilespmem:s26+$0x10]  }
0x6c: {  	v61 =	vmul.f32 v46, v19;
	v63 =	vmul.f32 v46, v20;
	v60 =	vadd.f32 v13, v17;
	v13 =	vld [tilespmem:s26+$0x20]  }
0x6d: {  	v48 =	vmul.f32 v46, v21;
	v49 =	vmul.f32 v62, v22;
	v5 =	vadd.f32 $0.0e+00, v5;
	v17 =	vld [tilespmem:s26+$0x30];
	s28 =	spop (v2sf)  }
0x6e: {  	v50 =	vmul.f32 v23, v62;
	v11 =	vadd.f32 $0.0e+00, v11;
	(v2sf) =	vpush v56, $0xE;
	v21 =	vld [tilespmem:s28+$0x0]  }
0x6f: {  	v52 =	vmul.f32 v24, v62;
	v46 =	vbroadcast v7, $0x7;
	v12 =	vadd.f32 $0.0e+00, v12;
	v23 =	vld [tilespmem:s28+$0x10]  }
0x70: {  	v14 =	vadd.f32 v5, v14;
	v11 =	vadd.f32 v11, v15;
	v5 =	vshll.u32 v9, $0x6;
	v20 =	vld [tilespmem:s28+$0x20]  }
0x71: {  	v59 =	vadd.f32 v12, v16;
	v16 =	vmul.f32 v25, v62;
	v53 =	vmul.f32 v26, v51;
	v22 =	vld [tilespmem:s28+$0x30];
	s29 =	spop (v2sf)  }
0x72: {  	v54 =	vmul.f32 v27, v51;
	v55 =	vmul.f32 v28, v51;
	(v2sf) =	vpush v56, $0xF;
	v25 =	vld [tilespmem:s29+$0x0]  }
0x73: {  	v57 =	vmul.f32 v29, v51;
	v51 =	vbroadcast v7, $0x8;
	v14 =	vadd.f32 v14, v58;
	v26 =	vld [tilespmem:s29+$0x10]  }
0x74: {  	v11 =	vadd.f32 v11, v61;
	v9 =	vadd.f32 v59, v63;
	v61 =	vbroadcast v7, $0x6;
	v24 =	vld [tilespmem:s29+$0x20]  }
0x75: {  	v12 =	vadd.f32 v60, v48;
	v14 =	vadd.f32 v14, v49;
	v56 =	vbroadcast v7, $0x5;
	v15 =	vld [tilespmem:s29+$0x30];
	s30 =	spop (v2sf)  }
0x76: {  	v62 =	vmul.f32 v34, v61;
	v63 =	vmul.f32 v35, v61;
	(v2sf) =	vpush v5, $0x0;
	v28 =	vld [tilespmem:s30+$0x0]  }
0x77: {  	v11 =	vadd.f32 v11, v50;
	v36 =	vmul.f32 v36, v61;
	v58 =	vmul.f32 v30, v56;
	v30 =	vld [tilespmem:s30+$0x10]  }
0x78: {  	v12 =	vadd.f32 v12, v16;
	v48 =	vmul.f32 v37, v61;
	v49 =	vmul.f32 v38, v46;
	v19 =	vld [tilespmem:s30+$0x20]  }
0x79: {  	v50 =	vmul.f32 v40, v46;
	v10 =	vadd.f32 v54, v11;
	v59 =	vmul.f32 v31, v56;
	v31 =	vld [tilespmem:s30+$0x30];
	s31 =	spop (v2sf)  }
0x7a: {  	v11 =	vadd.f32 v57, v12;
	v16 =	vmul.f32 v33, v56;
	(v2sf) =	vpush v5, $0x1;
	v34 =	vld [tilespmem:s31+$0x0]  }
0x7b: {  	v9 =	vadd.f32 v9, v52;
	v52 =	vmul.f32 v41, v46;
	v61 =	vbroadcast v7, $0xB;
	v29 =	vld [tilespmem:s31+$0x20]  }
0x7c: {  	v14 =	vadd.f32 v14, v53;
	v53 =	vmul.f32 v44, v51;
	v35 =	vld [tilespmem:s31+$0x30];
	v11 =	vadd.f32 v16, v11  }
0x7d: {  	v9 =	vadd.f32 v55, v9;
	v55 =	vbroadcast v7, $0x9;
	v60 =	vmul.f32 v32, v56;
	v16 =	vld [tilespmem:s31+$0x10];
	s20 =	spop (v2sf)  }
0x7e: {  	v33 =	vmul.f32 v42, v46;
	v11 =	vadd.f32 v48, v11;
	(v2sf) =	vpush v5, $0x2;
	v37 =	vld [tilespmem:s20+$0x0]  }
0x7f: {  	v54 =	vmul.f32 v39, v51;
	v57 =	vmul.f32 v43, v55;
	v9 =	vadd.f32 v60, v9;
	v27 =	vld [tilespmem:s20+$0x10]  }
0x80: {  	v18 =	vmul.f32 v18, v55;
	v10 =	vadd.f32 v59, v10;
	v11 =	vadd.f32 v33, v11;
	v33 =	vld [tilespmem:s20+$0x20]  }
0x81: {  	v13 =	vmul.f32 v13, v55;
	v17 =	vmul.f32 v17, v55;
	v9 =	vadd.f32 v36, v9;
	v38 =	vld [tilespmem:s20+$0x30];
	s21 =	spop (v2sf)  }
0x82: {  	v56 =	vmul.f32 v45, v51;
	v10 =	vadd.f32 v63, v10;
	(v2sf) =	vpush v5, $0x3;
	v40 =	vld [tilespmem:s21+$0x0]  }
0x83: {  	v14 =	vadd.f32 v58, v14;
	v58 =	vbroadcast v7, $0xA;
	v9 =	vadd.f32 v52, v9;
	v41 =	vld [tilespmem:s21+$0x10]  }
0x84: {  	v43 =	vbroadcast v7, $0xC;
	v32 =	vmul.f32 v47, v51;
	v10 =	vadd.f32 v50, v10;
	v39 =	vld [tilespmem:s21+$0x20]  }
0x85: {  	v12 =	vadd.f32 v62, v14;
	v59 =	vmul.f32 v21, v58;
	v9 =	vadd.f32 v56, v9;
	v14 =	vld [tilespmem:s21+$0x30];
	s22 =	spop (v2sf)  }
0x86: {  	v60 =	vmul.f32 v23, v58;
	v10 =	vadd.f32 v54, v10;
	(v2sf) =	vpush v5, $0x4;
	v21 =	vld [tilespmem:s22+$0x0]  }
0x87: {  	v20 =	vmul.f32 v20, v58;
	v62 =	vmul.f32 v22, v58;
	v9 =	vadd.f32 v13, v9;
	v23 =	vld [tilespmem:s22+$0x10]  }
0x88: {  	v63 =	vmul.f32 v25, v61;
	v12 =	vadd.f32 v49, v12;
	v10 =	vadd.f32 v18, v10;
	v18 =	vld [tilespmem:s22+$0x20]  }
0x89: {  	v36 =	vmul.f32 v26, v61;
	v11 =	vadd.f32 v32, v11;
	v9 =	vadd.f32 v20, v9;
	v20 =	vld [tilespmem:s22+$0x30];
	s23 =	spop (v2sf)  }
0x8a: {  	v42 =	vmul.f32 v24, v61;
	v12 =	vadd.f32 v53, v12;
	(v2sf) =	vpush v5, $0x5;
	v26 =	vld [tilespmem:s23+$0x0]  }
0x8b: {  	v15 =	vmul.f32 v15, v61;
	v48 =	vbroadcast v7, $0xD;
	v11 =	vadd.f32 v17, v11;
	v44 =	vld [tilespmem:s23+$0x10]  }
0x8c: {  	v46 =	vmul.f32 v28, v43;
	v47 =	vmul.f32 v30, v43;
	v12 =	vadd.f32 v57, v12;
	v45 =	vld [tilespmem:s23+$0x20]  }
0x8d: {  	v19 =	vmul.f32 v19, v43;
	v49 =	vmul.f32 v31, v43;
	v11 =	vadd.f32 v62, v11;
	v25 =	vld [tilespmem:s23+$0x30];
	s24 =	spop (v2sf)  }
0x8e: {  	v50 =	vmul.f32 v34, v48;
	v12 =	vadd.f32 v59, v12;
	(v2sf) =	vpush v5, $0x6;
	v30 =	vld [tilespmem:s24+$0x0]  }
0x8f: {  	v29 =	vmul.f32 v29, v48;
	v10 =	vadd.f32 v60, v10;
	v11 =	vadd.f32 v15, v11;
	v15 =	vld [tilespmem:s24+$0x10]  }
0x90: {  	v28 =	vmul.f32 v35, v48;
	v52 =	vmul.f32 v16, v48;
	v12 =	vadd.f32 v63, v12;
	v51 =	vld [tilespmem:s24+$0x20]  }
0x91: {  	v53 =	vbroadcast v7, $0xE;
	v10 =	vadd.f32 v36, v10;
	v9 =	vadd.f32 v42, v9;
	v54 =	vld [tilespmem:s24+$0x30];
	s25 =	spop (v2sf)  }
0x92: {  	v7 =	vbroadcast v7, $0xF;
	v11 =	vadd.f32 v49, v11;
	(v2sf) =	vpush v5, $0x7;
	v31 =	vld [tilespmem:s25+$0x0]  }
0x93: {  	v62 =	vbroadcast v6, $0x0;
	v12 =	vadd.f32 v46, v12;
	v9 =	vadd.f32 v19, v9;
	v19 =	vld [tilespmem:s25+$0x10]  }
0x94: {  	v10 =	vadd.f32 v47, v10;
	v46 =	vbroadcast v6, $0x2;
	v57 =	vadd.f32 v28, v11;
	v11 =	vld [tilespmem:s25+$0x20]  }
0x95: {  	v55 =	vmul.f32 v37, v53;
	v56 =	vadd.f32 v29, v9;
	v58 =	vmul.f32 v27, v53;
	v27 =	vld [tilespmem:s25+$0x30];
	s26 =	spop (v2sf)  }
0x96: {  	v59 =	vmul.f32 v33, v53;
	v16 =	vmul.f32 v38, v53;
	(v2sf) =	vpush v5, $0x8;
	v29 =	vld [tilespmem:s26+$0x0]  }
0x97: {  	v12 =	vadd.f32 v50, v12;
	v53 =	vbroadcast v6, $0x3;
	v60 =	vmul.f32 v40, v7;
	v34 =	vld [tilespmem:s26+$0x10]  }
0x98: {  	v10 =	vadd.f32 v52, v10;
	v61 =	vmul.f32 v41, v7;
	v63 =	vmul.f32 v39, v7;
	v28 =	vld [tilespmem:s26+$0x20]  }
0x99: {  	v7 =	vmul.f32 v14, v7;
	v39 =	vbroadcast v6, $0x1;
	v33 =	vld [tilespmem:s26+$0x30];
	s28 =	spop (v2sf);
	(v2sf) =	vpush v5, $0x9  }
0x9a: {  	v12 =	vadd.f32 v55, v12;
	v10 =	vadd.f32 v58, v10;
	v35 =	vmul.f32 v21, v62;
	v21 =	vld [tilespmem:s28+$0x0]  }
0x9b: {  	v8 =	vadd.f32 v59, v56;
	v9 =	vadd.f32 v16, v57;
	v36 =	vmul.f32 v23, v62;
	v37 =	vld [tilespmem:s28+$0x10]  }
0x9c: {  	v18 =	vmul.f32 v18, v62;
	v41 =	vmul.f32 v20, v62;
	v12 =	vadd.f32 v60, v12;
	v40 =	vld [tilespmem:s28+$0x20]  }
0x9d: {  	v42 =	vmul.f32 v26, v39;
	v10 =	vadd.f32 v61, v10;
	v8 =	vadd.f32 v63, v8;
	v16 =	vld [tilespmem:s28+$0x30];
	s29 =	spop (v2sf)  }
0x9e: {  	v43 =	vmul.f32 v44, v39;
	v7 =	vadd.f32 v7, v9;
	v38 =	vadd.f32 v35, v12;
	v44 =	vld [tilespmem:s29+$0x0]  }
0x9f: {  	v45 =	vmul.f32 v45, v39;
	v10 =	vadd.f32 v36, v10;
	(v2sf) =	vpush v5, $0xA;
	v47 =	vld [tilespmem:s29+$0x10]  }
0xa0: {  	v60 =	vbroadcast v6, $0x4;
	v8 =	vadd.f32 v18, v8;
	v7 =	vadd.f32 v41, v7;
	v48 =	vld [tilespmem:s29+$0x20]  }
0xa1: {  	v12 =	vmul.f32 v25, v39;
	v9 =	vadd.f32 v42, v38;
	v49 =	vmul.f32 v30, v46;
	v50 =	vld [tilespmem:s29+$0x30];
	s30 =	spop (v2sf)  }
0xa2: {  	v10 =	vadd.f32 v43, v10;
	v15 =	vmul.f32 v15, v46;
	v22 =	vmul.f32 v51, v46;
	v51 =	vld [tilespmem:s30+$0x0]  }
0xa3: {  	v52 =	vmul.f32 v54, v46;
	v46 =	vbroadcast v6, $0x7;
	(v2sf) =	vpush v5, $0xB;
	v54 =	vld [tilespmem:s30+$0x10]  }
0xa4: {  	v8 =	vadd.f32 v45, v8;
	v56 =	vmul.f32 v31, v53;
	v19 =	vmul.f32 v19, v53;
	v55 =	vld [tilespmem:s30+$0x20]  }
0xa5: {  	v7 =	vadd.f32 v12, v7;
	v11 =	vmul.f32 v11, v53;
	v59 =	vmul.f32 v27, v53;
	v57 =	vld [tilespmem:s30+$0x30];
	s31 =	spop (v2sf)  }
0xa6: {  	v53 =	vbroadcast v6, $0x8;
	v9 =	vadd.f32 v49, v9;
	v8 =	vadd.f32 v22, v8;
	v58 =	vld [tilespmem:s31+$0x0]  }
0xa7: {  	v10 =	vadd.f32 v15, v10;
	v62 =	vmul.f32 v29, v60;
	v63 =	vmul.f32 v34, v60;
	v61 =	vld [tilespmem:s31+$0x10]  }
0xa8: {  	v28 =	vmul.f32 v28, v60;
	v8 =	vadd.f32 v11, v8;
	(v2sf) =	vpush v5, $0xC;
	v11 =	vld [tilespmem:s31+$0x20];
	s20 =	spop (v2sf)  }
0xa9: {  	v7 =	vadd.f32 v52, v7;
	v34 =	vbroadcast v6, $0x5;
	v35 =	vmul.f32 v33, v60;
	v17 =	vld [tilespmem:s20+$0x10]  }
0xaa: {  	v60 =	vbroadcast v6, $0x9;
	v9 =	vadd.f32 v56, v9;
	v10 =	vadd.f32 v19, v10;
	v29 =	vld [tilespmem:s31+$0x30]  }
0xab: {  	v7 =	vadd.f32 v59, v7;
	v36 =	vmul.f32 v21, v34;
	v37 =	vmul.f32 v37, v34;
	v31 =	vld [tilespmem:s20+$0x0]  }
0xac: {  	v39 =	vmul.f32 v40, v34;
	v40 =	vbroadcast v6, $0x6;
	(v2sf) =	vpush v5, $0xD;
	v38 =	vld [tilespmem:s20+$0x20]  }
0xad: {  	v16 =	vmul.f32 v16, v34;
	v9 =	vadd.f32 v62, v9;
	v10 =	vadd.f32 v63, v10;
	v41 =	vld [tilespmem:s20+$0x30]  }
0xae: {  	v8 =	vadd.f32 v28, v8;
	v7 =	vadd.f32 v35, v7;
	v33 =	vmul.f32 v17, v60;
	v17 =	vld [tilespmem:s17+$0x0];
	s21 =	spop (v2sf)  }
0xaf: {  	v34 =	vbroadcast v6, $0xA;
	v9 =	vadd.f32 v36, v9;
	v10 =	vadd.f32 v37, v10;
	v42 =	vld [tilespmem:s21+$0x0]  }
0xb0: {  	v8 =	vadd.f32 v39, v8;
	v43 =	vmul.f32 v44, v40;
	v44 =	vmul.f32 v47, v40;
	v45 =	vld [tilespmem:s21+$0x10]  }
0xb1: {  	v7 =	vadd.f32 v16, v7;
	v18 =	vmul.f32 v48, v40;
	v48 =	vmul.f32 v50, v40;
	v47 =	vld [tilespmem:s21+$0x20]  }
0xb2: {  	v52 =	vmul.f32 v54, v46;
	v10 =	vadd.f32 v44, v10;
	(v2sf) =	vpush v5, $0xE;
	v49 =	vld [tilespmem:s21+$0x30];
	s22 =	spop (v2sf)  }
0xb3: {  	v50 =	vmul.f32 v51, v46;
	v56 =	vmul.f32 v57, v46;
	v7 =	vadd.f32 v48, v7;
	v51 =	vld [tilespmem:s22+$0x0]  }
0xb4: {  	v59 =	vmul.f32 v61, v53;
	(v2sf) =	vpush v5, $0xF;
	v5 =	vadd.f32 v52, v10;
	v54 =	vld [tilespmem:s22+$0x10]  }
0xb5: {  	v13 =	vmul.f32 v55, v46;
	v29 =	vmul.f32 v29, v53;
	v7 =	vadd.f32 v56, v7;
	v55 =	vld [tilespmem:s22+$0x20]  }
0xb6: {  	v57 =	vmul.f32 v58, v53;
	v30 =	vmul.f32 v31, v60;
	v58 =	vld [tilespmem:s22+$0x30];
	v5 =	vadd.f32 v59, v5  }
0xb7: {  	v36 =	vmul.f32 v38, v60;
	v38 =	vmul.f32 v41, v60;
	v7 =	vadd.f32 v29, v7;
	s23 =	spop (v2sf);
	v60 =	vld.idx.msk [tilespmem:v17+s11+$0x0], $0xffff  }
0xb8: {  	v41 =	vbroadcast v6, $0xB;
	v61 =	vld [tilespmem:s23+$0x0];
	v5 =	vadd.f32 v33, v5;
	v40 =	vmul.f32 v45, v34  }
0xb9: {  	v9 =	vadd.f32 v43, v9;
	v7 =	vadd.f32 v38, v7;
	v63 =	vld [tilespmem:s23+$0x10];
	v43 =	vmul.f32 v47, v34  }
0xba: {  	v31 =	vld [tilespmem:s23+$0x20];
	v14 =	vmul.f32 v49, v34;
	v47 =	vmul.f32 v54, v41;
	v5 =	vadd.f32 v40, v5  }
0xbb: {  	s26 =	sadd.s32 $0x1, s18;
	v8 =	vadd.f32 v18, v8;
	v35 =	vld [tilespmem:s23+$0x30];
	s24 =	spop (v2sf)  }
0xbc: {  	v37 =	vld [tilespmem:s24+$0x0];
	v46 =	vadd.f32 v14, v7;
	v14 =	vadd.f32 v47, v5;
	v5 =	vmov s26  }
0xbd: {  	v9 =	vadd.f32 v50, v9;
	v39 =	vld [tilespmem:s24+$0x10]  }
0xbe: {  	v62 =	vmul.f32 v11, v53;
	v8 =	vadd.f32 v13, v8;
	v7 =	vld [tilespmem:s17+$0x10]  }
0xbf: {  	v9 =	vadd.f32 v57, v9;
	v19 =	vmul.f32 v42, v34;
	v42 =	vld [tilespmem:s24+$0x20];
	v49 =	vbroadcast v6, $0xC  }
0xc0: {  	v8 =	vadd.f32 v62, v8;
	v45 =	vld [tilespmem:s24+$0x30]  }
0xc1: {  	v9 =	vadd.f32 v30, v9;
	v11 =	vmul.f32 v63, v49;
	s25 =	spop (v2sf);
	v63 =	vld.idx.msk [tilespmem:v5+s12+$0x0], $0xffff  }
0xc2: {  	v62 =	vbroadcast v6, $0xE;
	v8 =	vadd.f32 v36, v8;
	v50 =	vld [tilespmem:s25+$0x0]  }
0xc3: {  	v44 =	vmul.f32 v51, v41;
	v48 =	vmul.f32 v55, v41;
	v9 =	vadd.f32 v19, v9;
	v51 =	vld [tilespmem:s25+$0x10]  }
0xc4: {  	v15 =	vmul.f32 v58, v41;
	v55 =	vbroadcast v6, $0xD;
	v8 =	vadd.f32 v43, v8;
	v53 =	vld [tilespmem:s25+$0x20]  }
0xc5: {  	v52 =	vmul.f32 v61, v49;
	v54 =	vmul.f32 v31, v49;
	v9 =	vadd.f32 v44, v9;
	v56 =	vld [tilespmem:s25+$0x30]  }
0xc6: {  	v57 =	vmul.f32 v35, v49;
	v13 =	vmul.f32 v37, v55;
	v8 =	vadd.f32 v48, v8;
	s28 =	spop (v2sf);
	v27 =	vld.idx.msk [tilespmem:v7+s11+$0x0], $0xffff  }
0xc7: {  	v59 =	vmul.f32 v39, v55;
	v10 =	vadd.f32 v15, v46;
	v9 =	vadd.f32 v52, v9;
	v58 =	vld [tilespmem:s28+$0x0]  }
0xc8: {  	v61 =	vmul.f32 v42, v55;
	v11 =	vadd.f32 v11, v14;
	v8 =	vadd.f32 v54, v8;
	v30 =	vld [tilespmem:s28+$0x10]  }
0xc9: {  	v26 =	vmul.f32 v45, v55;
	v10 =	vadd.f32 v57, v10;
	v9 =	vadd.f32 v13, v9;
	v32 =	vld [tilespmem:s28+$0x20]  }
0xca: {  	v6 =	vbroadcast v6, $0xF;
	v11 =	vadd.f32 v59, v11;
	v8 =	vadd.f32 v61, v8;
	v36 =	vld [tilespmem:s28+$0x30]  }
0xcb: {  	v10 =	vadd.f32 v26, v10;
	v28 =	vmul.f32 v50, v62;
	v29 =	vmul.f32 v51, v62  }
0xcc: {  	v35 =	vadd.f32 v63, v60;
	v31 =	vmul.f32 v53, v62;
	v33 =	vmul.f32 v56, v62  }
0xcd: {  	v15 =	vadd.f32 v63, v27;
	v34 =	vmul.f32 v58, v6;
	v37 =	vmul.f32 v30, v6  }
0xce: {  	v16 =	vmul.f32 $2.000000030e-01, v35;
	v38 =	vmul.f32 v32, v6;
	vm14 =	vge.f32 v35, $0.0e+00  }
0xcf: {  	v6 =	vmul.f32 v36, v6;
	v9 =	vadd.f32 v28, v9;
	v11 =	vadd.f32 v29, v11  }
0xd0: {  	v8 =	vadd.f32 v31, v8;
	v10 =	vadd.f32 v33, v10;
	v39 =	vmul.f32 $2.000000030e-01, v15  }
0xd1: {  	vm15 =	vge.f32 v15, $0.0e+00;
	v40 =	vsel vm14, v35, v16;
	v9 =	vadd.f32 v34, v9  }
0xd2: {  	v11 =	vadd.f32 v37, v11;
	v41 =	vsel vm15, v15, v39;
	v13 =	vmul.f32 $1.442695020e+00, v40  }
0xd3: {  	v8 =	vadd.f32 v38, v8;
	v42 =	vmul.f32 $1.442695020e+00, v41;
	v9 =	vmax.f32 v9, $0.0e+00  }
0xd4: {  	v11 =	vmax.f32 v11, $0.0e+00;
	(erf) = vpow2.f32 v13;
	v9 =	vmul.f32 v9, v0  }
0xd5: {  	v11 =	vmul.f32 v11, v1;
	(erf) = vpow2.f32 v42  }
0xd6: {  	v6 =	vadd.f32 v6, v10;
	v8 =	vmax.f32 v8, $0.0e+00  }
0xd7: {  	v8 =	vmul.f32 v8, v2;
	v9 =	vadd.f32 v11, v9  }
0xd8: {  	v6 =	vmax.f32 v6, $0.0e+00  }
0xd9: {  	v6 =	vmul.f32 v6, v3;
	v8 =	vadd.f32 v8, v9;
	_ =	sdelay $0x1  }
0xda: {  	v6 =	vadd.f32 v6, v8;
	_ =	sdelay $0x1  }
0xdb: {  	v43 =	vpop (erf);
	(xrf2) =	vadd.scan.msk.f32 $0xffff, v6  }
0xdc: {  	v8 =	vpop (erf);
	(xrf2) =	vadd.scan.msk.f32 $0xffff, v43  }
0xdd: {  	(xrf2) =	vadd.scan.msk.f32 $0xffff, v8;
	_ =	sdelay $0x7  }
0xde: {  	v6, _, _ =	vpop (xrf2)  }
0xdf: {  	v44, _, _ =	vpop (xrf2)  }
0xe0: {  	(v2sf) =	vpush v44, $0xF;
	v45, _, _ =	vpop (xrf2)  }
0xe1: {  	v11 =	vshll.u32 v17, $0x6;
	(v2sf) =	vpush v45, $0xF  }
0xe2: {  	(v2sf) =	vpush v11, $0x0;
	_ =	sdelay $0x3  }
0xe3: {  	(v2sf) =	vpush v11, $0x1;
	_ =	sdelay $0x3  }
0xe4: {  	(v2sf) =	vpush v11, $0x2;
	_ =	sdelay $0x3  }
0xe5: {  	(v2sf) =	vpush v11, $0x3  }
0xe6: {  	s29 =	spop (v2sf)  }
0xe7: {  	s30 =	spop (v2sf)  }
0xe8: {  	s31 =	spop (v2sf)  }
0xe9: {  	(v2sf) =	vpush v11, $0x4;
	v46 =	vld [tilespmem:s31+$0x0]  }
0xea: {  	v47 =	vld [tilespmem:s31+$0x10]  }
0xeb: {  	v62 =	vld [tilespmem:s31+$0x20]  }
0xec: {  	v15 =	vld [tilespmem:s31+$0x30];
	s22 =	spop (v2sf)  }
0xed: {  	(v2sf) =	vpush v11, $0x5;
	v16 =	vld [tilespmem:s22+$0x0]  }
0xee: {  	v63 =	vld [tilespmem:s22+$0x10]  }
0xef: {  	v48 =	vld [tilespmem:s22+$0x20]  }
0xf0: {  	v49 =	vld [tilespmem:s22+$0x30];
	s23 =	spop (v2sf)  }
0xf1: {  	(v2sf) =	vpush v11, $0x6;
	v50 =	vld [tilespmem:s23+$0x0]  }
0xf2: {  	v21 =	vld [tilespmem:s23+$0x10]  }
0xf3: {  	v51 =	vld [tilespmem:s23+$0x20]  }
0xf4: {  	v52 =	vld [tilespmem:s23+$0x30];
	s24 =	spop (v2sf)  }
0xf5: {  	s19 =	sadd.f32 s30, s29;
	(v2sf) =	vpush v11, $0x7;
	v53 =	vld [tilespmem:s24+$0x0]  }
0xf6: {  	v55 =	vld [tilespmem:s24+$0x10]  }
0xf7: {  	v54 =	vmov s19;
	v56 =	vld [tilespmem:s24+$0x20]  }
0xf8: {  	(erf) = vrcp.f32 v54;
	v57 =	vld [tilespmem:s24+$0x30];
	s25 =	spop (v2sf)  }
0xf9: {  	(v2sf) =	vpush v11, $0x8;
	v58 =	vld [tilespmem:s25+$0x0]  }
0xfa: {  	v59 =	vld [tilespmem:s25+$0x10]  }
0xfb: {  	v60 =	vld [tilespmem:s25+$0x20]  }
0xfc: {  	v31 =	vld [tilespmem:s25+$0x30];
	s26 =	spop (v2sf)  }
0xfd: {  	(v2sf) =	vpush v11, $0x9;
	v32 =	vld [tilespmem:s26+$0x0]  }
0xfe: {  	v33 =	vld [tilespmem:s26+$0x10]  }
0xff: {  	v34 =	vld [tilespmem:s26+$0x20]  }
0x100: {  	v35 =	vld [tilespmem:s26+$0x30];
	s28 =	spop (v2sf)  }
0x101: {  	v10 =	vpop (erf);
	(v2sf) =	vpush v11, $0xA;
	v36 =	vld [tilespmem:s28+$0x0]  }
0x102: {  	v9 =	vmul.f32 v10, v43;
	v37 =	vld [tilespmem:s28+$0x10]  }
0x103: {  	v39 =	vld [tilespmem:s28+$0x20]  }
0x104: {  	v61 =	vbroadcast v9, $0x0;
	v40 =	vld [tilespmem:s28+$0x30];
	s29 =	spop (v2sf)  }
0x105: {  	(v2sf) =	vpush v11, $0xB;
	v41 =	vld [tilespmem:s29+$0x0]  }
0x106: {  	v13 =	vmul.f32 v61, v47;
	v43 =	vld [tilespmem:s29+$0x10]  }
0x107: {  	v14 =	vmul.f32 v61, v62;
	v62 =	vbroadcast v9, $0x1;
	v44 =	vld [tilespmem:s29+$0x20]  }
0x108: {  	v8 =	vmul.f32 v10, v8;
	v12 =	vmul.f32 v61, v46;
	v45 =	vld [tilespmem:s29+$0x30];
	s30 =	spop (v2sf)  }
0x109: {  	v13 =	vadd.f32 $0.0e+00, v13;
	v17 =	vmul.f32 v62, v63;
	(v2sf) =	vpush v11, $0xC;
	v38 =	vld [tilespmem:s30+$0x0]  }
0x10a: {  	v15 =	vmul.f32 v61, v15;
	v61 =	vbroadcast v9, $0x5;
	v12 =	vadd.f32 $0.0e+00, v12;
	v46 =	vld [tilespmem:s30+$0x10]  }
0x10b: {  	v14 =	vadd.f32 $0.0e+00, v14;
	v16 =	vmul.f32 v62, v16;
	v13 =	vadd.f32 v13, v17;
	v17 =	vld [tilespmem:s30+$0x20]  }
0x10c: {  	v63 =	vmul.f32 v62, v48;
	v48 =	vbroadcast v9, $0x2;
	v15 =	vadd.f32 $0.0e+00, v15;
	v20 =	vld [tilespmem:s30+$0x30];
	s31 =	spop (v2sf)  }
0x10d: {  	v49 =	vmul.f32 v62, v49;
	v47 =	vmul.f32 v33, v61;
	(v2sf) =	vpush v11, $0xD;
	v42 =	vld [tilespmem:s31+$0x0]  }
0x10e: {  	v29 =	vmul.f32 v35, v61;
	v12 =	vadd.f32 v12, v16;
	v21 =	vmul.f32 v48, v21;
	v23 =	vld [tilespmem:s31+$0x10]  }
0x10f: {  	v14 =	vadd.f32 v14, v63;
	v50 =	vmul.f32 v48, v50;
	v22 =	vmul.f32 v48, v51;
	v19 =	vld [tilespmem:s31+$0x20]  }
0x110: {  	v15 =	vadd.f32 v15, v49;
	v51 =	vmul.f32 v48, v52;
	v13 =	vadd.f32 v13, v21;
	v21 =	vld [tilespmem:s31+$0x30];
	s20 =	spop (v2sf)  }
0x111: {  	v52 =	vbroadcast v9, $0x3;
	v63 =	vmul.f32 v32, v61;
	(v2sf) =	vpush v11, $0xE;
	v25 =	vld [tilespmem:s20+$0x0]  }
0x112: {  	v48 =	vbroadcast v9, $0x6;
	v49 =	vmul.f32 v34, v61;
	v12 =	vadd.f32 v12, v50;
	v26 =	vld [tilespmem:s20+$0x10]  }
0x113: {  	v14 =	vadd.f32 v14, v22;
	v53 =	vmul.f32 v52, v53;
	v54 =	vmul.f32 v55, v52;
	v22 =	vld [tilespmem:s20+$0x20]  }
0x114: {  	v15 =	vadd.f32 v15, v51;
	v55 =	vmul.f32 v56, v52;
	v56 =	vmul.f32 v57, v52;
	v27 =	vld [tilespmem:s20+$0x30];
	s21 =	spop (v2sf)  }
0x115: {  	v57 =	vbroadcast v9, $0x4;
	v50 =	vmul.f32 v36, v48;
	(v2sf) =	vpush v11, $0xF;
	v11 =	vld [tilespmem:s21+$0x0]  }
0x116: {  	v7 =	vshll.u32 v7, $0x6;
	v51 =	vmul.f32 v37, v48;
	v52 =	vbroadcast v9, $0x7;
	v18 =	vld [tilespmem:s21+$0x10]  }
0x117: {  	v30 =	vmul.f32 v40, v48;
	v15 =	vadd.f32 v15, v56;
	v62 =	vmul.f32 v31, v57;
	v28 =	vld [tilespmem:s21+$0x20]  }
0x118: {  	v12 =	vadd.f32 v12, v53;
	v13 =	vadd.f32 v13, v54;
	v58 =	vmul.f32 v58, v57;
	v31 =	vld [tilespmem:s21+$0x30];
	s22 =	spop (v2sf)  }
0x119: {  	v59 =	vmul.f32 v59, v57;
	v15 =	vadd.f32 v62, v15;
	(v2sf) =	vpush v7, $0x0;
	v33 =	vld [tilespmem:s22+$0x0]  }
0x11a: {  	v14 =	vadd.f32 v14, v55;
	v60 =	vmul.f32 v60, v57;
	v53 =	vmul.f32 v39, v48;
	v24 =	vld [tilespmem:s22+$0x10]  }
0x11b: {  	v54 =	vmul.f32 v41, v52;
	v12 =	vadd.f32 v12, v58;
	v15 =	vadd.f32 v29, v15;
	v29 =	vld [tilespmem:s22+$0x20]  }
0x11c: {  	v55 =	vmul.f32 v43, v52;
	v13 =	vadd.f32 v59, v13;
	v14 =	vadd.f32 v60, v14;
	v34 =	vld [tilespmem:s22+$0x30];
	s23 =	spop (v2sf)  }
0x11d: {  	v56 =	vbroadcast v9, $0x8;
	v12 =	vadd.f32 v63, v12;
	(v2sf) =	vpush v7, $0x1;
	v36 =	vld [tilespmem:s23+$0x0]  }
0x11e: {  	v57 =	vmul.f32 v44, v52;
	v13 =	vadd.f32 v47, v13;
	v14 =	vadd.f32 v49, v14;
	v39 =	vld [tilespmem:s23+$0x10]  }
0x11f: {  	v32 =	vmul.f32 v45, v52;
	v59 =	vbroadcast v9, $0x9;
	v12 =	vadd.f32 v50, v12;
	v35 =	vld [tilespmem:s23+$0x20]  }
0x120: {  	v63 =	vbroadcast v9, $0xA;
	v13 =	vadd.f32 v51, v13;
	v14 =	vadd.f32 v53, v14;
	v37 =	vld [tilespmem:s23+$0x30];
	s24 =	spop (v2sf)  }
0x121: {  	v12 =	vadd.f32 v54, v12;
	v38 =	vmul.f32 v38, v56;
	(v2sf) =	vpush v7, $0x2;
	v40 =	vld [tilespmem:s24+$0x0]  }
0x122: {  	v15 =	vadd.f32 v30, v15;
	v14 =	vadd.f32 v57, v14;
	v17 =	vmul.f32 v17, v56;
	v41 =	vld [tilespmem:s24+$0x10]  }
0x123: {  	v49 =	vbroadcast v9, $0xC;
	v13 =	vadd.f32 v55, v13;
	v12 =	vadd.f32 v38, v12;
	v38 =	vld [tilespmem:s24+$0x20]  }
0x124: {  	v58 =	vmul.f32 v46, v56;
	v60 =	vmul.f32 v20, v56;
	v14 =	vadd.f32 v17, v14;
	v17 =	vld [tilespmem:s24+$0x30];
	s25 =	spop (v2sf)  }
0x125: {  	v46 =	vbroadcast v9, $0xB;
	v56 =	vbroadcast v9, $0xD;
	(v2sf) =	vpush v7, $0x3;
	v30 =	vld [tilespmem:s25+$0x0]  }
0x126: {  	v15 =	vadd.f32 v32, v15;
	v61 =	vmul.f32 v42, v59;
	v23 =	vmul.f32 v23, v59;
	v42 =	vld [tilespmem:s25+$0x10]  }
0x127: {  	v62 =	vmul.f32 v19, v59;
	v43 =	vmul.f32 v21, v59;
	v13 =	vadd.f32 v58, v13;
	v21 =	vld [tilespmem:s25+$0x20]  }
0x128: {  	v15 =	vadd.f32 v60, v15;
	v44 =	vmul.f32 v25, v63;
	v45 =	vmul.f32 v26, v63;
	v25 =	vld [tilespmem:s25+$0x30];
	s26 =	spop (v2sf)  }
0x129: {  	v22 =	vmul.f32 v22, v63;
	v47 =	vmul.f32 v27, v63;
	(v2sf) =	vpush v7, $0x4;
	v32 =	vld [tilespmem:s26+$0x0]  }
0x12a: {  	v60 =	vbroadcast v9, $0xE;
	v13 =	vadd.f32 v23, v13;
	v14 =	vadd.f32 v62, v14;
	v19 =	vld [tilespmem:s26+$0x10]  }
0x12b: {  	v9 =	vbroadcast v9, $0xF;
	v12 =	vadd.f32 v61, v12;
	v15 =	vadd.f32 v43, v15;
	v20 =	vld [tilespmem:s26+$0x20]  }
0x12c: {  	v48 =	vmul.f32 v18, v46;
	v13 =	vadd.f32 v45, v13;
	v14 =	vadd.f32 v22, v14;
	v22 =	vld [tilespmem:s26+$0x30];
	s28 =	spop (v2sf)  }
0x12d: {  	v26 =	vmul.f32 v31, v46;
	v15 =	vadd.f32 v47, v15;
	(v2sf) =	vpush v7, $0x5;
	v27 =	vld [tilespmem:s28+$0x0]  }
0x12e: {  	v11 =	vmul.f32 v11, v46;
	v50 =	vmul.f32 v28, v46;
	v12 =	vadd.f32 v44, v12;
	v16 =	vld [tilespmem:s28+$0x10]  }
0x12f: {  	v51 =	vadd.f32 v48, v13;
	v54 =	vadd.f32 v26, v15;
	v48 =	vbroadcast v8, $0x0;
	v15 =	vld [tilespmem:s28+$0x20]  }
0x130: {  	v11 =	vadd.f32 v11, v12;
	v52 =	vmul.f32 v33, v49;
	v55 =	vmul.f32 v24, v49;
	v24 =	vld [tilespmem:s28+$0x30];
	s29 =	spop (v2sf)  }
0x131: {  	v57 =	vmul.f32 v29, v49;
	v18 =	vmul.f32 v34, v49;
	(v2sf) =	vpush v7, $0x6;
	v28 =	vld [tilespmem:s29+$0x0]  }
0x132: {  	v53 =	vadd.f32 v50, v14;
	v33 =	vbroadcast v8, $0x7;
	v58 =	vmul.f32 v36, v56;
	v31 =	vld [tilespmem:s29+$0x10]  }
0x133: {  	v59 =	vmul.f32 v39, v56;
	v61 =	vmul.f32 v35, v56;
	v11 =	vadd.f32 v52, v11;
	v26 =	vld [tilespmem:s29+$0x20]  }
0x134: {  	v23 =	vmul.f32 v37, v56;
	v12 =	vadd.f32 v55, v51;
	v14 =	vadd.f32 v18, v54;
	v29 =	vld [tilespmem:s29+$0x30];
	s30 =	spop (v2sf)  }
0x135: {  	v62 =	vmul.f32 v40, v60;
	v63 =	vmul.f32 v41, v60;
	(v2sf) =	vpush v7, $0x7;
	v34 =	vld [tilespmem:s30+$0x0]  }
0x136: {  	v10 =	vadd.f32 v57, v53;
	v40 =	vmul.f32 v38, v60;
	v43 =	vmul.f32 v17, v60;
	v41 =	vld [tilespmem:s30+$0x10]  }
0x137: {  	v53 =	vbroadcast v8, $0x1;
	v44 =	vmul.f32 v30, v9;
	v14 =	vadd.f32 v23, v14;
	v23 =	vld [tilespmem:s30+$0x20]  }
0x138: {  	v45 =	vmul.f32 v42, v9;
	v11 =	vadd.f32 v58, v11;
	v12 =	vadd.f32 v59, v12;
	v17 =	vld [tilespmem:s30+$0x30];
	s31 =	spop (v2sf)  }
0x139: {  	v47 =	vmul.f32 v21, v9;
	v10 =	vadd.f32 v61, v10;
	(v2sf) =	vpush v7, $0x8;
	v46 =	vld [tilespmem:s31+$0x0]  }
0x13a: {  	v9 =	vmul.f32 v25, v9;
	v42 =	vbroadcast v8, $0x4;
	v11 =	vadd.f32 v62, v11;
	v49 =	vld [tilespmem:s31+$0x10]  }
0x13b: {  	v58 =	vbroadcast v8, $0x2;
	v12 =	vadd.f32 v63, v12;
	v10 =	vadd.f32 v40, v10;
	v50 =	vld [tilespmem:s31+$0x20]  }
0x13c: {  	v13 =	vadd.f32 v43, v14;
	v63 =	vbroadcast v8, $0x3;
	v11 =	vadd.f32 v44, v11;
	v52 =	vld [tilespmem:s31+$0x30];
	s20 =	spop (v2sf)  }
0x13d: {  	v12 =	vadd.f32 v45, v12;
	v51 =	vmul.f32 v32, v48;
	(v2sf) =	vpush v7, $0x9;
	v32 =	vld [tilespmem:s20+$0x0]  }
0x13e: {  	v10 =	vadd.f32 v47, v10;
	v19 =	vmul.f32 v19, v48;
	v20 =	vmul.f32 v20, v48;
	v14 =	vld [tilespmem:s20+$0x10]  }
0x13f: {  	v9 =	vadd.f32 v9, v13;
	v54 =	vmul.f32 v22, v48;
	v55 =	vmul.f32 v27, v53;
	v56 =	vld [tilespmem:s20+$0x20]  }
0x140: {  	v57 =	vmul.f32 v16, v53;
	v15 =	vmul.f32 v15, v53;
	v11 =	vadd.f32 v51, v11;
	v59 =	vld [tilespmem:s20+$0x30];
	s21 =	spop (v2sf)  }
0x141: {  	v60 =	vmul.f32 v24, v53;
	v10 =	vadd.f32 v20, v10;
	(v2sf) =	vpush v7, $0xA;
	v24 =	vld [tilespmem:s21+$0x0]  }
0x142: {  	v12 =	vadd.f32 v19, v12;
	v9 =	vadd.f32 v54, v9;
	v61 =	vmul.f32 v28, v58;
	v19 =	vld [tilespmem:s21+$0x10]  }
0x143: {  	v62 =	vmul.f32 v31, v58;
	v26 =	vmul.f32 v26, v58;
	v10 =	vadd.f32 v15, v10;
	v15 =	vld [tilespmem:s21+$0x20]  }
0x144: {  	v16 =	vmul.f32 v29, v58;
	v39 =	vmul.f32 v34, v63;
	v11 =	vadd.f32 v55, v11;
	v37 =	vld [tilespmem:s21+$0x30];
	s22 =	spop (v2sf)  }
0x145: {  	v40 =	vmul.f32 v41, v63;
	v12 =	vadd.f32 v57, v12;
	(v2sf) =	vpush v7, $0xB;
	v38 =	vld [tilespmem:s22+$0x0]  }
0x146: {  	v44 =	vmul.f32 v23, v63;
	v9 =	vadd.f32 v60, v9;
	v11 =	vadd.f32 v61, v11;
	v41 =	vld [tilespmem:s22+$0x10]  }
0x147: {  	v17 =	vmul.f32 v17, v63;
	v12 =	vadd.f32 v62, v12;
	v10 =	vadd.f32 v26, v10;
	v43 =	vld [tilespmem:s22+$0x20]  }
0x148: {  	v57 =	vbroadcast v8, $0x6;
	v9 =	vadd.f32 v16, v9;
	v11 =	vadd.f32 v39, v11;
	v45 =	vld [tilespmem:s22+$0x30];
	s23 =	spop (v2sf)  }
0x149: {  	v46 =	vmul.f32 v46, v42;
	v48 =	vmul.f32 v49, v42;
	(v2sf) =	vpush v7, $0xC;
	v47 =	vld [tilespmem:s23+$0x0]  }
0x14a: {  	v12 =	vadd.f32 v40, v12;
	v18 =	vmul.f32 v50, v42;
	v50 =	vbroadcast v8, $0x5;
	v49 =	vld [tilespmem:s23+$0x10]  }
0x14b: {  	v10 =	vadd.f32 v44, v10;
	v9 =	vadd.f32 v17, v9;
	v40 =	vbroadcast v8, $0x8;
	v51 =	vld [tilespmem:s23+$0x20]  }
0x14c: {  	v52 =	vmul.f32 v52, v42;
	v11 =	vadd.f32 v46, v11;
	v54 =	vmul.f32 v32, v50;
	v53 =	vld [tilespmem:s23+$0x30];
	s24 =	spop (v2sf)  }
0x14d: {  	v14 =	vmul.f32 v14, v50;
	v56 =	vmul.f32 v56, v50;
	(v2sf) =	vpush v7, $0xD;
	v55 =	vld [tilespmem:s24+$0x0]  }
0x14e: {  	v12 =	vadd.f32 v48, v12;
	v59 =	vmul.f32 v59, v50;
	v61 =	vmul.f32 v24, v57;
	v58 =	vld [tilespmem:s24+$0x10]  }
0x14f: {  	v10 =	vadd.f32 v18, v10;
	v62 =	vmul.f32 v19, v57;
	v15 =	vmul.f32 v15, v57;
	v60 =	vld [tilespmem:s24+$0x20]  }
0x150: {  	v9 =	vadd.f32 v52, v9;
	v35 =	vmul.f32 v37, v57;
	v48 =	vbroadcast v8, $0x9;
	v63 =	vld [tilespmem:s24+$0x30];
	s25 =	spop (v2sf)  }
0x151: {  	v37 =	vmul.f32 v38, v33;
	v11 =	vadd.f32 v54, v11;
	(v2sf) =	vpush v7, $0xE;
	v34 =	vld [tilespmem:s25+$0x0]  }
0x152: {  	v39 =	vmul.f32 v41, v33;
	v12 =	vadd.f32 v14, v12;
	v10 =	vadd.f32 v56, v10;
	v36 =	vld [tilespmem:s25+$0x10]  }
0x153: {  	v42 =	vmul.f32 v43, v33;
	v9 =	vadd.f32 v59, v9;
	v11 =	vadd.f32 v61, v11;
	v38 =	vld [tilespmem:s25+$0x20]  }
0x154: {  	v44 =	vmul.f32 v45, v33;
	v12 =	vadd.f32 v62, v12;
	v41 =	vld [tilespmem:s25+$0x30];
	s26 =	spop (v2sf);
	(v2sf) =	vpush v7, $0xF  }
0x155: {  	v56 =	vbroadcast v8, $0xA;
	v10 =	vadd.f32 v15, v10;
	v9 =	vadd.f32 v35, v9;
	v43 =	vld [tilespmem:s26+$0x0]  }
0x156: {  	v35 =	vbroadcast v8, $0xC;
	v11 =	vadd.f32 v37, v11;
	v46 =	vld [tilespmem:s26+$0x10];
	v45 =	vmul.f32 v47, v40  }
0x157: {  	v12 =	vadd.f32 v39, v12;
	v47 =	vmul.f32 v49, v40;
	v49 =	vld [tilespmem:s26+$0x20];
	v50 =	vmul.f32 v51, v40  }
0x158: {  	v10 =	vadd.f32 v42, v10;
	v51 =	vld [tilespmem:s26+$0x30];
	v52 =	vmul.f32 v53, v40;
	v53 =	vmul.f32 v55, v48;
	s28 =	spop (v2sf)  }
0x159: {  	v9 =	vadd.f32 v44, v9;
	v55 =	vmul.f32 v58, v48;
	v58 =	vmul.f32 v60, v48;
	v54 =	vld [tilespmem:s28+$0x0]  }
0x15a: {  	v60 =	vmul.f32 v63, v48;
	v63 =	vbroadcast v8, $0xB;
	v11 =	vadd.f32 v45, v11;
	v57 =	vld [tilespmem:s28+$0x10]  }
0x15b: {  	v12 =	vadd.f32 v47, v12;
	v61 =	vmul.f32 v34, v56;
	v14 =	vmul.f32 v36, v56;
	v59 =	vld [tilespmem:s28+$0x20]  }
0x15c: {  	v10 =	vadd.f32 v50, v10;
	v30 =	vmul.f32 v38, v56;
	v32 =	vmul.f32 v41, v56;
	s29 =	spop (v2sf);
	v62 =	vld [tilespmem:s28+$0x30]  }
0x15d: {  	v9 =	vadd.f32 v52, v9;
	v7 =	vmul.f32 v43, v63;
	v34 =	vmul.f32 v46, v63;
	v29 =	vld [tilespmem:s29+$0x0]  }
0x15e: {  	v43 =	vbroadcast v8, $0xD;
	v11 =	vadd.f32 v53, v11;
	v12 =	vadd.f32 v55, v12;
	v31 =	vld [tilespmem:s29+$0x10]  }
0x15f: {  	v10 =	vadd.f32 v58, v10;
	v9 =	vadd.f32 v60, v9;
	v37 =	vmul.f32 v49, v63;
	v33 =	vld [tilespmem:s29+$0x20]  }
0x160: {  	v39 =	vmul.f32 v51, v63;
	v51 =	vbroadcast v8, $0xE;
	v11 =	vadd.f32 v61, v11;
	s30 =	spop (v2sf);
	v36 =	vld [tilespmem:s29+$0x30]  }
0x161: {  	v8 =	vbroadcast v8, $0xF;
	v12 =	vadd.f32 v14, v12;
	v10 =	vadd.f32 v30, v10;
	v38 =	vld [tilespmem:s30+$0x0]  }
0x162: {  	v9 =	vadd.f32 v32, v9;
	v7 =	vadd.f32 v7, v11;
	v41 =	vld [tilespmem:s30+$0x10];
	v40 =	vmul.f32 v54, v35  }
0x163: {  	v12 =	vadd.f32 v34, v12;
	v44 =	vld [tilespmem:s30+$0x20];
	s31 =	spop (v2sf);
	v42 =	vmul.f32 v57, v35;
	v45 =	vmul.f32 v59, v35  }
0x164: {  	v10 =	vadd.f32 v37, v10;
	v49 =	vld [tilespmem:s31+$0x0];
	v47 =	vmul.f32 v62, v35;
	v48 =	vmul.f32 v29, v43  }
0x165: {  	v9 =	vadd.f32 v39, v9;
	v52 =	vld [tilespmem:s31+$0x10];
	v50 =	vmul.f32 v31, v43;
	v53 =	vmul.f32 v33, v43  }
0x166: {  	v46 =	vld [tilespmem:s30+$0x30];
	v55 =	vmul.f32 v36, v43;
	v7 =	vadd.f32 v40, v7;
	v11 =	vadd.f32 v42, v12  }
0x167: {  	v54 =	vld [tilespmem:s31+$0x20];
	v10 =	vadd.f32 v45, v10;
	v9 =	vadd.f32 v47, v9;
	v14 =	vmul.f32 v38, v51  }
0x168: {  	v58 =	vld [tilespmem:s31+$0x30];
	v56 =	vmul.f32 v41, v51;
	v7 =	vadd.f32 v48, v7;
	v11 =	vadd.f32 v50, v11  }
0x169: {  	v57 =	vmul.f32 v44, v51;
	v59 =	vmul.f32 v49, v8;
	v10 =	vadd.f32 v53, v10  }
0x16a: {  	v60 =	vmul.f32 v52, v8;
	v7 =	vadd.f32 v14, v7;
	v11 =	vadd.f32 v56, v11  }
0x16b: {  	v61 =	vmul.f32 v46, v51;
	v9 =	vadd.f32 v55, v9;
	v10 =	vadd.f32 v57, v10  }
0x16c: {  	v62 =	vmul.f32 v54, v8;
	v7 =	vadd.f32 v59, v7;
	v11 =	vadd.f32 v60, v11  }
0x16d: {  	v8 =	vmul.f32 v58, v8;
	v9 =	vadd.f32 v61, v9  }
0x16e: {  	v10 =	vadd.f32 v62, v10;
	v7 =	vmax.f32 v7, $0.0e+00;
	v11 =	vmax.f32 v11, $0.0e+00  }
0x16f: {  	v7 =	vmul.f32 v7, v0;
	v11 =	vmul.f32 v11, v1  }
0x170: {  	v8 =	vadd.f32 v8, v9;
	v63 =	vmax.f32 v10, $0.0e+00  }
0x171: {  	v9 =	vmul.f32 v63, v2;
	v7 =	vadd.f32 v11, v7  }
0x172: {  	v8 =	vmax.f32 v8, $0.0e+00  }
0x173: {  	v8 =	vmul.f32 v8, v3;
	v7 =	vadd.f32 v9, v7;
	_ =	sdelay $0x1  }
0x174: {  	v7 =	vadd.f32 v8, v7;
	_ =	sdelay $0x1  }
0x175: {  	(xrf2) =	vadd.scan.msk.f32 $0xffff, v7;
	_ =	sdelay $0x7  }
0x176: {  	p0 =	slt.u32 s18, $0x1FE  }
.Ltmp0:
0x177: {  	_ = 	snop;
	(pc) =	sbr.rel @p0 .LBB2_2-.Ltmp0, $4  }
0x178: {  	v6 =	vbroadcast v6, $0xF;
	v7, _, _ =	vpop (xrf2)  }
0x179: {  	v7 =	vbroadcast v7, $0xF  }
0x17a: {  	[tilespmem:v4+s15+$0x0] =	vst.idx.msk $0x1, v6  }
0x17b: {  	s18 =	sadd.s32 $0x2, s18;
	s17 =	sadd.s32 $0x40, s17;
	[tilespmem:v5+s15+$0x0] =	vst.idx.msk $0x1, v7  }
0x17c: {  	s16 =	sadd.s32 $0x1, s16  }
0x17d: {  	p0 =	sne.s32 s16, s10  }
.Ltmp1:
0x17e: {  	_ = 	snop;
	(pc) =	sbr.rel @p0 .LBB2_1-.Ltmp1, $4  }
0x17f: {  	[hbm4b:s9+s3] =	stream.linear.scatter [tilespmem:s15], [sflag:$0x1], $0x200, $0x38;
	[tilespmem:$0x14880] =	vst v63  }
0x180: {  	_ =	swait.ge [sflag:s4], $0x200  }
0x181: {  	[sflag:s4] =	ssyncset.done $0x0  }
0x182: {  	[sflag:s4] =	ssyncadd.s32 $0xFFFFFE00  }
0x183: {  	_ =	sfence.sel $0x180000  }
0x184: {  	[bflag:$0x0] =	sbarrier.arrive $0xFFFF  }
0x185: {  	p0 =	sne.s32 s0, $0x0;
	_ =	strace $0x90000047  }
0x186: {  	s0 =	sadd.s32 @!p0 $0x100000, s1;
	[bflag:$0x2] =	sbarrier.arrive $0xFFFF  }
0x187: {  	[sflag:s0] =	ssyncadd.tile.s32 @!p0 $0x1;
	_ =	shalt  }
.Lfunc_end2:
_tile_overlayer_lowered:
.L_overlay_start_2:
0x188: {  	(tag) =	ssettag $0x2  }
0x189: {  	s0 =	rddreg [dreg:$0x0];
	s2 =	stileid.u32  }
0x18a: {  	s1 =	rddreg [dreg:$0x1];
	p0 =	sne.s32 s2, $0x0  }
0x18b: {  	s3 =	rddreg [dreg:$0x2];
	[bflag:$0x3] =	sbarrier.arrive $0xFFFF;
	s2 =	simm.s32 @!p0 $0x1C01  }
0x18c: {  	[timem:s3], [sflag:s2] =	dma.local @!p0 [hbm:s0], s1  }
0x18d: {  	s0 =	simm.s32 @!p0 $0x1  }
0x18e: {  	_ =	swait.ge @!p0 [sflag:s0], s1  }
0x18f: {  	s1 =	ssub.s32 @!p0 $0x0, s1;
	[sflag:s0] =	ssyncset.done @!p0 $0x0  }
0x190: {  	[sflag:s0] =	ssyncadd.s32 @!p0 s1  }
0x191: {  	[bflag:$0x3] =	sbarrier.arrive $0xFFFF  }
0x192: {  	_ =	shalt  }

</sc_bundles>
